<compile_context>
chip_gen: v7x
topology: tpu7x:2x2x1
jax: 0.10.2.dev20260603
libtpu: 0.0.44.dev20260713+nightly
codegen_flags: <defaults>
</compile_context>

<pallas_src>
import functools

import jax
import jax.numpy as jnp
from jax.experimental import pallas as pl
from jax.experimental.pallas import tpu as pltpu

F32 = jnp.float32
BF16 = jnp.bfloat16

T, C, V = 2048, 768, 16000
HEADD, NH = 64, 12
NRWKV, NTRANS, NE = 4, 2, 6
HID, LRD = 1536, 64
TQ = 256
NT = T // TQ
VT = 640
NV = V // VT

_tile = lambda i: (i, 0)
_one = lambda: (0, 0)


def _dot(a, b):
    return jax.lax.dot_general(a.astype(BF16), b.astype(BF16),
                               (((1,), (0,)), ((), ())),
                               preferred_element_type=F32)


def _ln3(x, g, b):
    m = x.mean(-1, keepdims=True)
    v = ((x - m) ** 2).mean(-1, keepdims=True)
    return (x - m) / jnp.sqrt(v + 1e-5) * g + b



def _gather_body(idx_ref, emb_ref, out_ref):
    out_ref[...] = emb_ref[...]


def _gather(idx, emb):
    out = pl.pallas_call(
        _gather_body,
        grid_spec=pltpu.PrefetchScalarGridSpec(
            num_scalar_prefetch=1,
            grid=(T,),
            in_specs=[pl.BlockSpec((1, 1, C),
                                   lambda i, idx_ref: (idx_ref[i], 0, 0))],
            out_specs=pl.BlockSpec((1, 1, C), lambda i, idx_ref: (i, 0, 0)),
        ),
        out_shape=jax.ShapeDtypeStruct((T, 1, C), F32),
        compiler_params=pltpu.CompilerParams(
            dimension_semantics=("arbitrary",)),
    )(idx, emb.reshape(emb.shape[0], 1, C))
    return out.reshape(T, C)



def _mm_body(a_ref, b_ref, o_ref):
    o_ref[...] = _dot(a_ref[...], b_ref[...])


def _mm(a, b):
    m, k = a.shape
    n = b.shape[1]
    return pl.pallas_call(
        _mm_body,
        in_specs=[pl.BlockSpec((m, k), _one), pl.BlockSpec((k, n), _one)],
        out_specs=pl.BlockSpec((m, n), _one),
        out_shape=jax.ShapeDtypeStruct((m, n), F32),
    )(a, b)


def _mm_add_body(x_ref, a_ref, b_ref, o_ref):
    o_ref[...] = x_ref[...] + _dot(a_ref[...], b_ref[...])


def _mm_add(x, a, b):
    m, k = a.shape
    n = b.shape[1]
    return pl.pallas_call(
        _mm_add_body,
        in_specs=[pl.BlockSpec((m, n), _one), pl.BlockSpec((m, k), _one),
                  pl.BlockSpec((k, n), _one)],
        out_specs=pl.BlockSpec((m, n), _one),
        out_shape=jax.ShapeDtypeStruct((m, n), F32),
    )(x, a, b)



def _scan_body0(zw_ref, k_ref, v_ref, st_ref, vfo_ref, s_c, w_s, kv_s):
    i = pl.program_id(0)
    w = jax.nn.sigmoid(zw_ref[...])
    v = v_ref[...]
    vfo_ref[...] = v
    w_s[...] = w
    kv_s[...] = k_ref[...] * v

    @pl.when(i == 0)
    def _():
        s_c[...] = jnp.zeros_like(s_c)

    def body(t, s):
        s = w_s[pl.ds(t, 1), :] * s + kv_s[pl.ds(t, 1), :]
        st_ref[pl.ds(t, 1), :] = s
        return s

    s_c[...] = jax.lax.fori_loop(0, TQ, body, s_c[...], unroll=8)


def _scan_body1(zw_ref, k_ref, v_ref, zg_ref, vf_ref, st_ref, s_c, w_s, kv_s):
    i = pl.program_id(0)
    w = jax.nn.sigmoid(zw_ref[...])
    v = v_ref[...]
    g = jax.nn.sigmoid(zg_ref[...])
    v = v + (vf_ref[...] - v) * g
    w_s[...] = w
    kv_s[...] = k_ref[...] * v

    @pl.when(i == 0)
    def _():
        s_c[...] = jnp.zeros_like(s_c)

    def body(t, s):
        s = w_s[pl.ds(t, 1), :] * s + kv_s[pl.ds(t, 1), :]
        st_ref[pl.ds(t, 1), :] = s
        return s

    s_c[...] = jax.lax.fori_loop(0, TQ, body, s_c[...], unroll=8)


def _scan_call(zw, k, v, zg, vf):
    tc = pl.BlockSpec((TQ, C), _tile)
    scratch = [pltpu.VMEM((1, C), F32), pltpu.VMEM((TQ, C), F32),
               pltpu.VMEM((TQ, C), F32)]
    if vf is None:
        return pl.pallas_call(
            _scan_body0,
            grid=(NT,),
            in_specs=[tc, tc, tc],
            out_specs=[tc, tc],
            out_shape=[jax.ShapeDtypeStruct((T, C), F32),
                       jax.ShapeDtypeStruct((T, C), F32)],
            scratch_shapes=scratch,
            compiler_params=pltpu.CompilerParams(
                dimension_semantics=("arbitrary",)),
        )(zw, k, v)
    return pl.pallas_call(
        _scan_body1,
        grid=(NT,),
        in_specs=[tc, tc, tc, tc, tc],
        out_specs=tc,
        out_shape=jax.ShapeDtypeStruct((T, C), F32),
        scratch_shapes=scratch,
        compiler_params=pltpu.CompilerParams(
            dimension_semantics=("arbitrary",)),
    )(zw, k, v, zg, vf)



def _att_body(r_ref, st_ref, wo_ref, o_ref):
    o_ref[...] = _dot(r_ref[...] * st_ref[...], wo_ref[...])


def _att_call(r, states, wo):
    tc = pl.BlockSpec((T, C), _one)
    return pl.pallas_call(
        _att_body,
        in_specs=[tc, tc, pl.BlockSpec((C, C), _one)],
        out_specs=tc,
        out_shape=jax.ShapeDtypeStruct((T, C), F32),
    )(r, states, wo)



def _router_body(h_ref, bids_ref, st_ref, wh, ws, wup, top_ref, pre_ref):
    h = h_ref[...]
    lan8 = jax.lax.broadcasted_iota(jnp.int32, (T, 8), 1)
    neg = jnp.float32(-jnp.inf)
    bids = jnp.where(lan8 < NE, bids_ref[...], neg)
    m1 = jnp.max(bids, axis=-1, keepdims=True)
    a1 = jnp.min(jnp.where(bids == m1, lan8, 1000), axis=-1, keepdims=True)
    bids2 = jnp.where(lan8 == a1, neg, bids)
    m2 = jnp.max(bids2, axis=-1, keepdims=True)
    a2 = jnp.min(jnp.where(bids2 == m2, lan8, 1000), axis=-1, keepdims=True)
    top_ref[...] = jnp.concatenate(
        [m1, m2, a1.astype(F32), a2.astype(F32),
         jnp.zeros((T, 4), F32)], axis=1)
    pre_ref[...] = _dot(
        jnp.tanh(_dot(h, wh[...]) + _dot(st_ref[...], ws[...])), wup[...])


def _router_call(h, bids, states, br):
    ins = [h, bids, states, br["Wh"], br["Ws"], br["Wup"]]
    in_specs = [pl.BlockSpec((T, C), _one), pl.BlockSpec((T, 8), _one),
                pl.BlockSpec((T, C), _one),
                pl.BlockSpec((C, LRD), _one), pl.BlockSpec((C, LRD), _one),
                pl.BlockSpec((LRD, C), _one)]
    return pl.pallas_call(
        _router_body,
        in_specs=in_specs,
        out_specs=[pl.BlockSpec((T, 8), _one), pl.BlockSpec((T, C), _one)],
        out_shape=[jax.ShapeDtypeStruct((T, 8), F32),
                   jax.ShapeDtypeStruct((T, C), F32)],
    )(*ins)



def _relu2_mm_body(t_ref, wv_ref, o_ref):
    t = jnp.square(jnp.maximum(t_ref[...], 0.0))
    o_ref[...] = _dot(t, wv_ref[...])


def _relu2_mm(t, wv):
    return pl.pallas_call(
        _relu2_mm_body,
        in_specs=[pl.BlockSpec((T, HID), _one), pl.BlockSpec((HID, C), _one)],
        out_specs=pl.BlockSpec((T, C), _one),
        out_shape=jax.ShapeDtypeStruct((T, C), F32),
    )(t, wv)


def _div_mm_body(num_ref, den_ref, wo_ref, o_ref):
    o_ref[...] = _dot(num_ref[...] / den_ref[...], wo_ref[...])


def _div_mm(num, den, wo):
    tc = pl.BlockSpec((T, C), _one)
    return pl.pallas_call(
        _div_mm_body,
        in_specs=[tc, tc, pl.BlockSpec((C, C), _one)],
        out_specs=tc,
        out_shape=jax.ShapeDtypeStruct((T, C), F32),
    )(num, den, wo)



def _add_body(a_ref, b_ref, o_ref):
    o_ref[...] = a_ref[...] + b_ref[...]


def _add_call(a, b):
    tc = pl.BlockSpec((TQ, C), _tile)
    return pl.pallas_call(
        _add_body,
        grid=(NT,),
        in_specs=[tc, tc],
        out_specs=tc,
        out_shape=jax.ShapeDtypeStruct((T, C), F32),
        compiler_params=pltpu.CompilerParams(
            dimension_semantics=("parallel",)),
    )(a, b)


def _head_body(x_ref, w_ref, out_ref):
    out_ref[...] = _dot(x_ref[...], w_ref[...])


def _head_call(hfin, head):
    return pl.pallas_call(
        _head_body,
        grid=(NV,),
        in_specs=[pl.BlockSpec((T, C), lambda j: (0, 0)),
                  pl.BlockSpec((C, VT), lambda j: (0, j))],
        out_specs=pl.BlockSpec((T, VT), lambda j: (0, j)),
        out_shape=jax.ShapeDtypeStruct((T, V), F32),
        compiler_params=pltpu.CompilerParams(
            dimension_semantics=("parallel",)),
    )(hfin, head)



def kernel(idx, params, step):
    p = params
    x = _gather(idx.reshape(-1), p["emb"]).reshape(1, T, C)
    br = p["bridge"]
    vf = None
    for li, blk in enumerate(p["blocks"]):
        ln_in = p["emb"][idx] if li == 0 else x
        h1 = _ln3(ln_in, blk["ln1_g"], blk["ln1_b"]).reshape(T, C)
        wcat = jnp.concatenate([blk["Wr"], blk["Wk"], blk["Wv"], blk["Ww"]],
                               axis=1)
        rkvw = _mm(h1, wcat)
        r = rkvw[:, 0:C]
        k = rkvw[:, C:2 * C]
        v = rkvw[:, 2 * C:3 * C]
        zw = rkvw[:, 3 * C:4 * C]
        if li == 0:
            states, vf = _scan_call(zw, k, v, None, None)
        else:
            zg = _mm(h1, blk["Wg"])
            states = _scan_call(zw, k, v, zg, vf)
        att = _att_call(r, states, blk["Wo"]).reshape(1, T, C)
        x2 = x + att
        h3 = _ln3(x2, blk["ln2_g"], blk["ln2_b"])
        h = h3.reshape(T, C)
        conf = jnp.stack([jax.nn.sigmoid(h3 @ ep["cw"] + ep["cb"])
                          for ep in blk["experts"]], axis=-1)
        diff = jax.nn.softplus(h3 @ blk["Wd"] + blk["bd"])
        aff = h3 @ blk["Wa"]
        bids = (conf * blk["shares"][None, None, :] * (1.0 + diff)
                + 0.1 * jnp.tanh(aff))
        bids = jnp.pad(bids.reshape(T, NE), ((0, 0), (0, 2)))
        top, prefix = _router_call(h, bids, states, br)
        vals = top[:, 0:2].reshape(1, T, 2)
        winners = top[:, 2:4].astype(jnp.int32).reshape(1, T, 2)
        weights = jax.nn.softmax(vals, axis=-1)
        gate = (weights[..., None]
                * jax.nn.one_hot(winners, NE, dtype=h3.dtype)).sum(2)
        hb = h.astype(BF16)
        final = jnp.zeros((1, T, C), F32)
        for e in range(NRWKV):
            t = _mm(hb, blk["experts"][e]["Wk"])
            o = _relu2_mm(t, blk["experts"][e]["Wv"]).reshape(1, T, C)
            final = final + gate[..., e:e + 1] * o
        pb = prefix.astype(BF16)
        for e in range(NTRANS):
            ep = blk["experts"][NRWKV + e]
            xin = _mm_add(h, pb, ep["Wp"]).astype(BF16)
            q = _mm(xin, ep["Wq"]).reshape(1, T, NH, HEADD)
            kk = _mm(xin, ep["Wk"]).reshape(1, T, NH, HEADD)
            vv = _mm(xin, ep["Wv"]).reshape(1, T, NH, HEADD)
            pq = jax.nn.elu(q) + 1.0
            pk = jax.nn.elu(kk) + 1.0
            num = pq * (pk * vv)
            den = (pq * pk).sum(-1, keepdims=True) + 1e-6
            o = _mm((num / den).reshape(T, C), ep["Wo"]).reshape(1, T, C)
            final = final + gate[..., NRWKV + e:NRWKV + e + 1] * o
        x = x2 + final
    hfin = _ln3(x, p["ln_out_g"], p["ln_out_b"]).reshape(T, C)
    logits = _head_call(hfin.astype(BF16), p["head"].astype(BF16))
    return logits.reshape(1, T, V)

# --- scband reference (transcript-rebuilt; emitter-appended) ---
"""Pipeline reference for scband-ca-mo-e-system-61546881352173 (READ-ONLY COPY).

The authoritative reference and input builder live on the scoring server;
editing this copy changes nothing except your own understanding.
"""

import jax, jax.numpy as jnp
import numpy as np

B, T, C, V, L = 1, 2048, 768, 16000, 2
HEAD = 64
NH = C // HEAD
NRWKV, NTRANS = 4, 2
E = NRWKV + NTRANS
HID = 2 * C
LRD = 64


def setup_inputs() -> dict:
    rs = np.random.RandomState(0)
    def w(*s):
        return jnp.asarray(rs.randn(*s).astype(np.float32) * 0.02)
    params = {
        "emb": w(V, C),
        "head": w(C, V),
        "ln_out_g": jnp.ones((C,), jnp.float32),
        "ln_out_b": jnp.zeros((C,), jnp.float32),
        "bridge": {"Wh": w(C, LRD), "Ws": w(C, LRD), "Wup": w(LRD, C)},
        "blocks": [],
    }
    for _ in range(L):
        blk = {
            "ln1_g": jnp.ones((C,), jnp.float32), "ln1_b": jnp.zeros((C,), jnp.float32),
            "ln2_g": jnp.ones((C,), jnp.float32), "ln2_b": jnp.zeros((C,), jnp.float32),
            "Wr": w(C, C), "Wk": w(C, C), "Wv": w(C, C), "Ww": w(C, C), "Wo": w(C, C), "Wg": w(C, C),
            "Wd": w(C, 1), "bd": jnp.zeros((1,), jnp.float32), "Wa": w(C, E),
            "shares": jnp.ones((E,), jnp.float32) / E,
        }
        experts = []
        for _ in range(NRWKV):
            experts.append({"Wk": w(C, HID), "Wv": w(HID, C), "cw": w(C), "cb": jnp.zeros((), jnp.float32)})
        for _ in range(NTRANS):
            experts.append({"Wq": w(C, C), "Wk": w(C, C), "Wv": w(C, C), "Wo": w(C, C), "Wp": w(C, C), "cw": w(C), "cb": jnp.zeros((), jnp.float32)})
        blk["experts"] = experts
        params["blocks"].append(blk)
    idx = jnp.asarray(rs.randint(0, V, size=(B, T)), dtype=jnp.int32)
    return {"idx": idx, "params": params, "step": 0}


def _ln(x, g, b):
    m = x.mean(-1, keepdims=True)
    v = ((x - m) ** 2).mean(-1, keepdims=True)
    return (x - m) / jnp.sqrt(v + 1e-5) * g + b


def _time_mix(x, v_first, p):
    r = x @ p["Wr"]
    k = x @ p["Wk"]
    v = x @ p["Wv"]
    wdec = jax.nn.sigmoid(x @ p["Ww"])
    if v_first is None:
        v_first = v
    else:
        g = jax.nn.sigmoid(x @ p["Wg"])
        v = v + (v_first - v) * g

    def step(s, inp):
        wt, kt, vt = inp
        s = wt * s + kt * vt
        return s, s

    wT = jnp.swapaxes(wdec, 0, 1)
    kT = jnp.swapaxes(k, 0, 1)
    vT = jnp.swapaxes(v, 0, 1)
    s0 = jnp.zeros((x.shape[0], x.shape[2]), x.dtype)
    _, states = jax.lax.scan(step, s0, (wT, kT, vT))
    states = jnp.swapaxes(states, 0, 1)
    out = (r * states) @ p["Wo"]
    return out, v_first, states


def _rwkv_ffn(h, p):
    return jnp.square(jax.nn.relu(h @ p["Wk"])) @ p["Wv"]


def _trans_expert(h, prefix, p):
    xin = h + prefix @ p["Wp"]
    q = (xin @ p["Wq"]).reshape(h.shape[0], h.shape[1], NH, HEAD)
    k = (xin @ p["Wk"]).reshape(h.shape[0], h.shape[1], NH, HEAD)
    v = (xin @ p["Wv"]).reshape(h.shape[0], h.shape[1], NH, HEAD)
    pq = jax.nn.elu(q) + 1.0
    pk = jax.nn.elu(k) + 1.0
    num = pq * (pk * v)
    den = (pq * pk).sum(-1, keepdims=True) + 1e-6
    out = (num / den).reshape(h.shape[0], h.shape[1], C)
    return out @ p["Wo"]


def _block(x, v_first, p, bp):
    att, v_first, state = _time_mix(_ln(x, p["ln1_g"], p["ln1_b"]), v_first, p)
    x = x + att
    h = _ln(x, p["ln2_g"], p["ln2_b"])
    conf = jnp.stack([jax.nn.sigmoid(h @ ep["cw"] + ep["cb"]) for ep in p["experts"]], axis=-1)
    diff = jax.nn.softplus(h @ p["Wd"] + p["bd"])
    aff = h @ p["Wa"]
    subsidy = 0.1 * jnp.tanh(aff)
    bids = conf * p["shares"][None, None, :] * (1.0 + diff) + subsidy
    vals, winners = jax.lax.top_k(bids, 2)
    weights = jax.nn.softmax(vals, axis=-1)
    gate = (weights[..., None] * jax.nn.one_hot(winners, E, dtype=h.dtype)).sum(2)
    prefix = jnp.tanh(h @ bp["Wh"] + state @ bp["Ws"]) @ bp["Wup"]
    final = jnp.zeros_like(h)
    for e in range(E):
        ep = p["experts"][e]
        if e < NRWKV:
            out_e = _rwkv_ffn(h, ep)
        else:
            out_e = _trans_expert(h, prefix, ep)
        final = final + gate[..., e:e + 1] * out_e
    return x + final, v_first


def reference(idx, params, step=0):
    x = params["emb"][idx]
    v_first = None
    for p in params["blocks"]:
        x, v_first = _block(x, v_first, p, params["bridge"])
    x = _ln(x, params["ln_out_g"], params["ln_out_b"])
    logits = x @ params["head"]
    return logits

if __name__ == "__main__":
    import jax
    _d = setup_inputs()
    print(jax.jit(kernel)(*tuple(_d.values())))

</pallas_src>

<mosaic_0001>
module attributes {stable_mosaic.version = 14 : i64} {
  func.func @_gather_body(%arg0: i32, %arg1: memref<2048xi32, #tpu.memory_space<smem>>, %arg2: memref<1x1x768xf32, #tpu.memory_space<vmem>>, %arg3: memref<1x1x768xf32, #tpu.memory_space<vmem>>) attributes {dimension_semantics = [#tpu.dimension_semantics<arbitrary>], iteration_bounds = array<i64: 2048>, scalar_prefetch = 1 : i64, scratch_operands = 0 : i64, tpu.core_type = #tpu.core_type<tc>, window_params = [{transform_indices = @transform_0, window_bounds = array<i64: 1, 1, 768>}, {transform_indices = @transform_1, window_bounds = array<i64: 1, 1, 768>}]} {
    %get3A = arith.constant 0 : index
    %get3A_0 = arith.constant 0 : index
    %get3A_1 = arith.constant 0 : index
    %get3A_2 = vector.load %arg2[%get3A, %get3A_0, %get3A_1] : memref<1x1x768xf32, #tpu.memory_space<vmem>>, vector<1x1x768xf32>
    %swap3A = arith.constant 0 : index
    %swap3A_3 = arith.constant 0 : index
    %swap3A_4 = arith.constant 0 : index
    %swap3A_5 = vector.load %arg3[%swap3A, %swap3A_3, %swap3A_4] : memref<1x1x768xf32, #tpu.memory_space<vmem>>, vector<1x1x768xf32>
    tpu.vector_store %arg3[%swap3A, %swap3A_3, %swap3A_4], %get3A_2 {strides = array<i32>} : memref<1x1x768xf32, #tpu.memory_space<vmem>>, vector<1x1x768xf32>,
    return
  }
  func.func @transform_0(%arg0: i32, %arg1: memref<2048xi32, #tpu.memory_space<smem>>) -> (i32, i32, i32) {
    %get3A = arith.index_cast %arg0 : i32 to index
    %get3A_0 = memref.load %arg1[%get3A] : memref<2048xi32, #tpu.memory_space<smem>>
    %c0_i32 = arith.constant 0 : i32
    %c0_i32_1 = arith.constant 0 : i32
    %c0_i32_2 = arith.constant 0 : i32
    return %get3A_0, %c0_i32, %c0_i32_1 : i32, i32, i32
  }
  func.func @transform_1(%arg0: i32, %arg1: memref<2048xi32, #tpu.memory_space<smem>>) -> (i32, i32, i32) {
    %c0_i32 = arith.constant 0 : i32
    %c0_i32_0 = arith.constant 0 : i32
    %c0_i32_1 = arith.constant 0 : i32
    return %arg0, %c0_i32, %c0_i32_0 : i32, i32, i32
  }
}

module attributes {stable_mosaic.version = 14 : i64} {
  func.func @_mm_body(%arg0: memref<2048x768xf32, #tpu.memory_space<vmem>>, %arg1: memref<768x3072xf32, #tpu.memory_space<vmem>>, %arg2: memref<2048x3072xf32, #tpu.memory_space<vmem>>) attributes {dimension_semantics = [], scalar_prefetch = 0 : i64, scratch_operands = 0 : i64, tpu.core_type = #tpu.core_type<tc>} {
    %get3A = arith.constant 0 : index
    %get3A_0 = arith.constant 0 : index
    %get3A_1 = vector.load %arg0[%get3A, %get3A_0] : memref<2048x768xf32, #tpu.memory_space<vmem>>, vector<2048x768xf32>
    %get3A_2 = arith.constant 0 : index
    %get3A_3 = arith.constant 0 : index
    %get3A_4 = vector.load %arg1[%get3A_2, %get3A_3] : memref<768x3072xf32, #tpu.memory_space<vmem>>, vector<768x3072xf32>
    %convert_element_type3A = arith.truncf %get3A_1 : vector<2048x768xf32> to vector<2048x768xbf16>
    %convert_element_type3A_5 = arith.truncf %get3A_4 : vector<768x3072xf32> to vector<768x3072xbf16>
    %dot_general3A = arith.constant dense<0.000000e+00> : vector<2048x3072xf32>
    %dot_general3A_6 = tpu.matmul %convert_element_type3A, %convert_element_type3A_5, %dot_general3A {dimension_numbers = #tpu.dot_dimension_numbers<[1], [0], [0], [1], [0, 0, 1, 1], [], []>, transpose_lhs_hint = false} : vector<2048x768xbf16>, vector<768x3072xbf16>, vector<2048x3072xf32> -> vector<2048x3072xf32>
    %swap3A = arith.constant 0 : index
    %swap3A_7 = arith.constant 0 : index
    %swap3A_8 = vector.load %arg2[%swap3A, %swap3A_7] : memref<2048x3072xf32, #tpu.memory_space<vmem>>, vector<2048x3072xf32>
    tpu.vector_store %arg2[%swap3A, %swap3A_7], %dot_general3A_6 {strides = array<i32>} : memref<2048x3072xf32, #tpu.memory_space<vmem>>, vector<2048x3072xf32>,
    return
  }
}

module attributes {stable_mosaic.version = 14 : i64} {
  func.func @_scan_body0(%arg0: i32, %arg1: memref<256x768xf32, #tpu.memory_space<vmem>>, %arg2: memref<256x768xf32, #tpu.memory_space<vmem>>, %arg3: memref<256x768xf32, #tpu.memory_space<vmem>>, %arg4: memref<256x768xf32, #tpu.memory_space<vmem>>, %arg5: memref<256x768xf32, #tpu.memory_space<vmem>>, %arg6: memref<1x768xf32, #tpu.memory_space<vmem>>, %arg7: memref<256x768xf32, #tpu.memory_space<vmem>>, %arg8: memref<256x768xf32, #tpu.memory_space<vmem>>) attributes {dimension_semantics = [#tpu.dimension_semantics<arbitrary>], iteration_bounds = array<i64: 8>, scalar_prefetch = 0 : i64, scratch_operands = 3 : i64, tpu.core_type = #tpu.core_type<tc>, window_params = [{transform_indices = @transform_0, window_bounds = array<i64: 256, 768>}, {transform_indices = @transform_1, window_bounds = array<i64: 256, 768>}, {transform_indices = @transform_2, window_bounds = array<i64: 256, 768>}, {transform_indices = @transform_3, window_bounds = array<i64: 256, 768>}, {transform_indices = @transform_4, window_bounds = array<i64: 256, 768>}]} {
    %get3A = arith.constant 0 : index
    %get3A_0 = arith.constant 0 : index
    %get3A_1 = vector.load %arg1[%get3A, %get3A_0] : memref<256x768xf32, #tpu.memory_space<vmem>>, vector<256x768xf32>
    %logistic3A = arith.negf %get3A_1 : vector<256x768xf32>
    %logistic3A_2 = math.exp %logistic3A : vector<256x768xf32>
    %logistic3A_3 = arith.constant 1.000000e+00 : f32
    %logistic3A_4 = vector.broadcast %logistic3A_3 : f32 to vector<256x768xf32>
    %logistic3A_5 = arith.addf %logistic3A_4, %logistic3A_2 : vector<256x768xf32>
    %logistic3A_6 = arith.divf %logistic3A_4, %logistic3A_5 : vector<256x768xf32>
    %get3A_7 = arith.constant 0 : index
    %get3A_8 = arith.constant 0 : index
    %get3A_9 = vector.load %arg3[%get3A_7, %get3A_8] : memref<256x768xf32, #tpu.memory_space<vmem>>, vector<256x768xf32>
    %swap3A = arith.constant 0 : index
    %swap3A_10 = arith.constant 0 : index
    %swap3A_11 = vector.load %arg5[%swap3A, %swap3A_10] : memref<256x768xf32, #tpu.memory_space<vmem>>, vector<256x768xf32>
    tpu.vector_store %arg5[%swap3A, %swap3A_10], %get3A_9 {strides = array<i32>} : memref<256x768xf32, #tpu.memory_space<vmem>>, vector<256x768xf32>,
    %swap3A_12 = arith.constant 0 : index
    %swap3A_13 = arith.constant 0 : index
    %swap3A_14 = vector.load %arg7[%swap3A_12, %swap3A_13] : memref<256x768xf32, #tpu.memory_space<vmem>>, vector<256x768xf32>
    tpu.vector_store %arg7[%swap3A_12, %swap3A_13], %logistic3A_6 {strides = array<i32>} : memref<256x768xf32, #tpu.memory_space<vmem>>, vector<256x768xf32>,
    %get3A_15 = arith.constant 0 : index
    %get3A_16 = arith.constant 0 : index
    %get3A_17 = vector.load %arg2[%get3A_15, %get3A_16] : memref<256x768xf32, #tpu.memory_space<vmem>>, vector<256x768xf32>
    %mul3A = arith.mulf %get3A_17, %get3A_9 : vector<256x768xf32>
    %swap3A_18 = arith.constant 0 : index
    %swap3A_19 = arith.constant 0 : index
    %swap3A_20 = vector.load %arg8[%swap3A_18, %swap3A_19] : memref<256x768xf32, #tpu.memory_space<vmem>>, vector<256x768xf32>
    tpu.vector_store %arg8[%swap3A_18, %swap3A_19], %mul3A {strides = array<i32>} : memref<256x768xf32, #tpu.memory_space<vmem>>, vector<256x768xf32>,
    %eq3A = arith.constant 0 : i32
    %eq3A_21 = arith.cmpi eq, %arg0, %eq3A : i32
    %convert_element_type3A = arith.extui %eq3A_21 : i1 to i32
    %cond3A = arith.constant 0 : i32
    %cond3A_22 = arith.cmpi ne, %convert_element_type3A, %cond3A : i32
    scf.if %cond3A_22 {
      %broadcast_in_dim3A = arith.constant 0.000000e+00 : f32
      %broadcast_in_dim3A_34 = vector.broadcast %broadcast_in_dim3A : f32 to vector<1x768xf32>
      %swap3A_35 = arith.constant 0 : index
      %swap3A_36 = arith.constant 0 : index
      %swap3A_37 = vector.load %arg6[%swap3A_35, %swap3A_36] : memref<1x768xf32, #tpu.memory_space<vmem>>, vector<1x768xf32>
      tpu.vector_store %arg6[%swap3A_35, %swap3A_36], %broadcast_in_dim3A_34 {strides = array<i32>} : memref<1x768xf32, #tpu.memory_space<vmem>>, vector<1x768xf32>,
    } else {
    }
    %get3A_23 = arith.constant 0 : index
    %get3A_24 = arith.constant 0 : index
    %get3A_25 = vector.load %arg6[%get3A_23, %get3A_24] : memref<1x768xf32, #tpu.memory_space<vmem>>, vector<1x768xf32>
    %scan3A = arith.constant 0 : i32
    %scan3A_26 = arith.constant 256 : i32
    %scan3A_27 = arith.addi %scan3A, %scan3A_26 : i32
    %scan3A_28 = arith.constant 8 : i32
    %scan3A_29 = scf.for %scan3A_34 = %scan3A to %scan3A_27 step %scan3A_28 iter_args(%scan3A_35 = %get3A_25) -> (vector<1x768xf32>)  : i32 {
      %get3A_36 = arith.index_cast %scan3A_34 : i32 to index
      %get3A_37 = arith.constant 0 : index
      %get3A_38 = vector.load %arg7[%get3A_36, %get3A_37] : memref<256x768xf32, #tpu.memory_space<vmem>>, vector<1x768xf32>
      %mul3A_39 = arith.mulf %get3A_38, %scan3A_35 : vector<1x768xf32>
      %get3A_40 = arith.index_cast %scan3A_34 : i32 to index
      %get3A_41 = arith.constant 0 : index
      %get3A_42 = vector.load %arg8[%get3A_40, %get3A_41] : memref<256x768xf32, #tpu.memory_space<vmem>>, vector<1x768xf32>
      %add3A = arith.addf %mul3A_39, %get3A_42 : vector<1x768xf32>
      %swap3A_43 = arith.index_cast %scan3A_34 : i32 to index
      %swap3A_44 = arith.constant 0 : index
      %swap3A_45 = vector.load %arg4[%swap3A_43, %swap3A_44] : memref<256x768xf32, #tpu.memory_space<vmem>>, vector<1x768xf32>
      tpu.vector_store %arg4[%swap3A_43, %swap3A_44], %add3A {strides = array<i32>} : memref<256x768xf32, #tpu.memory_space<vmem>>, vector<1x768xf32>,
      %scan3A_46 = arith.constant 1 : i32
      %scan3A_47 = arith.addi %scan3A_34, %scan3A_46 : i32
      %get3A_48 = arith.index_cast %scan3A_47 : i32 to index
      %get3A_49 = arith.constant 0 : index
      %get3A_50 = vector.load %arg7[%get3A_48, %get3A_49] : memref<256x768xf32, #tpu.memory_space<vmem>>, vector<1x768xf32>
      %mul3A_51 = arith.mulf %get3A_50, %add3A : vector<1x768xf32>
      %get3A_52 = arith.index_cast %scan3A_47 : i32 to index
      %get3A_53 = arith.constant 0 : index
      %get3A_54 = vector.load %arg8[%get3A_52, %get3A_53] : memref<256x768xf32, #tpu.memory_space<vmem>>, vector<1x768xf32>
      %add3A_55 = arith.addf %mul3A_51, %get3A_54 : vector<1x768xf32>
      %swap3A_56 = arith.index_cast %scan3A_47 : i32 to index
      %swap3A_57 = arith.constant 0 : index
      %swap3A_58 = vector.load %arg4[%swap3A_56, %swap3A_57] : memref<256x768xf32, #tpu.memory_space<vmem>>, vector<1x768xf32>
      tpu.vector_store %arg4[%swap3A_56, %swap3A_57], %add3A_55 {strides = array<i32>} : memref<256x768xf32, #tpu.memory_space<vmem>>, vector<1x768xf32>,
      %scan3A_59 = arith.constant 2 : i32
      %scan3A_60 = arith.addi %scan3A_34, %scan3A_59 : i32
      %get3A_61 = arith.index_cast %scan3A_60 : i32 to index
      %get3A_62 = arith.constant 0 : index
      %get3A_63 = vector.load %arg7[%get3A_61, %get3A_62] : memref<256x768xf32, #tpu.memory_space<vmem>>, vector<1x768xf32>
      %mul3A_64 = arith.mulf %get3A_63, %add3A_55 : vector<1x768xf32>
      %get3A_65 = arith.index_cast %scan3A_60 : i32 to index
      %get3A_66 = arith.constant 0 : index
      %get3A_67 = vector.load %arg8[%get3A_65, %get3A_66] : memref<256x768xf32, #tpu.memory_space<vmem>>, vector<1x768xf32>
      %add3A_68 = arith.addf %mul3A_64, %get3A_67 : vector<1x768xf32>
      %swap3A_69 = arith.index_cast %scan3A_60 : i32 to index
      %swap3A_70 = arith.constant 0 : index
      %swap3A_71 = vector.load %arg4[%swap3A_69, %swap3A_70] : memref<256x768xf32, #tpu.memory_space<vmem>>, vector<1x768xf32>
      tpu.vector_store %arg4[%swap3A_69, %swap3A_70], %add3A_68 {strides = array<i32>} : memref<256x768xf32, #tpu.memory_space<vmem>>, vector<1x768xf32>,
      %scan3A_72 = arith.constant 3 : i32
      %scan3A_73 = arith.addi %scan3A_34, %scan3A_72 : i32
      %get3A_74 = arith.index_cast %scan3A_73 : i32 to index
      %get3A_75 = arith.constant 0 : index
      %get3A_76 = vector.load %arg7[%get3A_74, %get3A_75] : memref<256x768xf32, #tpu.memory_space<vmem>>, vector<1x768xf32>
      %mul3A_77 = arith.mulf %get3A_76, %add3A_68 : vector<1x768xf32>
      %get3A_78 = arith.index_cast %scan3A_73 : i32 to index
      %get3A_79 = arith.constant 0 : index
      %get3A_80 = vector.load %arg8[%get3A_78, %get3A_79] : memref<256x768xf32, #tpu.memory_space<vmem>>, vector<1x768xf32>
      %add3A_81 = arith.addf %mul3A_77, %get3A_80 : vector<1x768xf32>
      %swap3A_82 = arith.index_cast %scan3A_73 : i32 to index
      %swap3A_83 = arith.constant 0 : index
      %swap3A_84 = vector.load %arg4[%swap3A_82, %swap3A_83] : memref<256x768xf32, #tpu.memory_space<vmem>>, vector<1x768xf32>
      tpu.vector_store %arg4[%swap3A_82, %swap3A_83], %add3A_81 {strides = array<i32>} : memref<256x768xf32, #tpu.memory_space<vmem>>, vector<1x768xf32>,
      %scan3A_85 = arith.constant 4 : i32
      %scan3A_86 = arith.addi %scan3A_34, %scan3A_85 : i32
      %get3A_87 = arith.index_cast %scan3A_86 : i32 to index
      %get3A_88 = arith.constant 0 : index
      %get3A_89 = vector.load %arg7[%get3A_87, %get3A_88] : memref<256x768xf32, #tpu.memory_space<vmem>>, vector<1x768xf32>
      %mul3A_90 = arith.mulf %get3A_89, %add3A_81 : vector<1x768xf32>
      %get3A_91 = arith.index_cast %scan3A_86 : i32 to index
      %get3A_92 = arith.constant 0 : index
      %get3A_93 = vector.load %arg8[%get3A_91, %get3A_92] : memref<256x768xf32, #tpu.memory_space<vmem>>, vector<1x768xf32>
      %add3A_94 = arith.addf %mul3A_90, %get3A_93 : vector<1x768xf32>
      %swap3A_95 = arith.index_cast %scan3A_86 : i32 to index
      %swap3A_96 = arith.constant 0 : index
      %swap3A_97 = vector.load %arg4[%swap3A_95, %swap3A_96] : memref<256x768xf32, #tpu.memory_space<vmem>>, vector<1x768xf32>
      tpu.vector_store %arg4[%swap3A_95, %swap3A_96], %add3A_94 {strides = array<i32>} : memref<256x768xf32, #tpu.memory_space<vmem>>, vector<1x768xf32>,
      %scan3A_98 = arith.constant 5 : i32
      %scan3A_99 = arith.addi %scan3A_34, %scan3A_98 : i32
      %get3A_100 = arith.index_cast %scan3A_99 : i32 to index
      %get3A_101 = arith.constant 0 : index
      %get3A_102 = vector.load %arg7[%get3A_100, %get3A_101] : memref<256x768xf32, #tpu.memory_space<vmem>>, vector<1x768xf32>
      %mul3A_103 = arith.mulf %get3A_102, %add3A_94 : vector<1x768xf32>
      %get3A_104 = arith.index_cast %scan3A_99 : i32 to index
      %get3A_105 = arith.constant 0 : index
      %get3A_106 = vector.load %arg8[%get3A_104, %get3A_105] : memref<256x768xf32, #tpu.memory_space<vmem>>, vector<1x768xf32>
      %add3A_107 = arith.addf %mul3A_103, %get3A_106 : vector<1x768xf32>
      %swap3A_108 = arith.index_cast %scan3A_99 : i32 to index
      %swap3A_109 = arith.constant 0 : index
      %swap3A_110 = vector.load %arg4[%swap3A_108, %swap3A_109] : memref<256x768xf32, #tpu.memory_space<vmem>>, vector<1x768xf32>
      tpu.vector_store %arg4[%swap3A_108, %swap3A_109], %add3A_107 {strides = array<i32>} : memref<256x768xf32, #tpu.memory_space<vmem>>, vector<1x768xf32>,
      %scan3A_111 = arith.constant 6 : i32
      %scan3A_112 = arith.addi %scan3A_34, %scan3A_111 : i32
      %get3A_113 = arith.index_cast %scan3A_112 : i32 to index
      %get3A_114 = arith.constant 0 : index
      %get3A_115 = vector.load %arg7[%get3A_113, %get3A_114] : memref<256x768xf32, #tpu.memory_space<vmem>>, vector<1x768xf32>
      %mul3A_116 = arith.mulf %get3A_115, %add3A_107 : vector<1x768xf32>
      %get3A_117 = arith.index_cast %scan3A_112 : i32 to index
      %get3A_118 = arith.constant 0 : index
      %get3A_119 = vector.load %arg8[%get3A_117, %get3A_118] : memref<256x768xf32, #tpu.memory_space<vmem>>, vector<1x768xf32>
      %add3A_120 = arith.addf %mul3A_116, %get3A_119 : vector<1x768xf32>
      %swap3A_121 = arith.index_cast %scan3A_112 : i32 to index
      %swap3A_122 = arith.constant 0 : index
      %swap3A_123 = vector.load %arg4[%swap3A_121, %swap3A_122] : memref<256x768xf32, #tpu.memory_space<vmem>>, vector<1x768xf32>
      tpu.vector_store %arg4[%swap3A_121, %swap3A_122], %add3A_120 {strides = array<i32>} : memref<256x768xf32, #tpu.memory_space<vmem>>, vector<1x768xf32>,
      %scan3A_124 = arith.constant 7 : i32
      %scan3A_125 = arith.addi %scan3A_34, %scan3A_124 : i32
      %get3A_126 = arith.index_cast %scan3A_125 : i32 to index
      %get3A_127 = arith.constant 0 : index
      %get3A_128 = vector.load %arg7[%get3A_126, %get3A_127] : memref<256x768xf32, #tpu.memory_space<vmem>>, vector<1x768xf32>
      %mul3A_129 = arith.mulf %get3A_128, %add3A_120 : vector<1x768xf32>
      %get3A_130 = arith.index_cast %scan3A_125 : i32 to index
      %get3A_131 = arith.constant 0 : index
      %get3A_132 = vector.load %arg8[%get3A_130, %get3A_131] : memref<256x768xf32, #tpu.memory_space<vmem>>, vector<1x768xf32>
      %add3A_133 = arith.addf %mul3A_129, %get3A_132 : vector<1x768xf32>
      %swap3A_134 = arith.index_cast %scan3A_125 : i32 to index
      %swap3A_135 = arith.constant 0 : index
      %swap3A_136 = vector.load %arg4[%swap3A_134, %swap3A_135] : memref<256x768xf32, #tpu.memory_space<vmem>>, vector<1x768xf32>
      tpu.vector_store %arg4[%swap3A_134, %swap3A_135], %add3A_133 {strides = array<i32>} : memref<256x768xf32, #tpu.memory_space<vmem>>, vector<1x768xf32>,
      scf.yield %add3A_133 : vector<1x768xf32>
    }
    %scan3A_30 = arith.constant 256 : i32
    %swap3A_31 = arith.constant 0 : index
    %swap3A_32 = arith.constant 0 : index
    %swap3A_33 = vector.load %arg6[%swap3A_31, %swap3A_32] : memref<1x768xf32, #tpu.memory_space<vmem>>, vector<1x768xf32>
    tpu.vector_store %arg6[%swap3A_31, %swap3A_32], %scan3A_29 {strides = array<i32>} : memref<1x768xf32, #tpu.memory_space<vmem>>, vector<1x768xf32>,
    return
  }
  func.func @transform_0(%arg0: i32) -> (i32, i32) {
    %c0_i32 = arith.constant 0 : i32
    %c0_i32_0 = arith.constant 0 : i32
    return %arg0, %c0_i32 : i32, i32
  }
  func.func @transform_1(%arg0: i32) -> (i32, i32) {
    %c0_i32 = arith.constant 0 : i32
    %c0_i32_0 = arith.constant 0 : i32
    return %arg0, %c0_i32 : i32, i32
  }
  func.func @transform_2(%arg0: i32) -> (i32, i32) {
    %c0_i32 = arith.constant 0 : i32
    %c0_i32_0 = arith.constant 0 : i32
    return %arg0, %c0_i32 : i32, i32
  }
  func.func @transform_3(%arg0: i32) -> (i32, i32) {
    %c0_i32 = arith.constant 0 : i32
    %c0_i32_0 = arith.constant 0 : i32
    return %arg0, %c0_i32 : i32, i32
  }
  func.func @transform_4(%arg0: i32) -> (i32, i32) {
    %c0_i32 = arith.constant 0 : i32
    %c0_i32_0 = arith.constant 0 : i32
    return %arg0, %c0_i32 : i32, i32
  }
}

module attributes {stable_mosaic.version = 14 : i64} {
  func.func @_att_body(%arg0: memref<2048x768xf32, #tpu.memory_space<vmem>>, %arg1: memref<2048x768xf32, #tpu.memory_space<vmem>>, %arg2: memref<768x768xf32, #tpu.memory_space<vmem>>, %arg3: memref<2048x768xf32, #tpu.memory_space<vmem>>) attributes {dimension_semantics = [], scalar_prefetch = 0 : i64, scratch_operands = 0 : i64, tpu.core_type = #tpu.core_type<tc>} {
    %get3A = arith.constant 0 : index
    %get3A_0 = arith.constant 0 : index
    %get3A_1 = vector.load %arg0[%get3A, %get3A_0] : memref<2048x768xf32, #tpu.memory_space<vmem>>, vector<2048x768xf32>
    %get3A_2 = arith.constant 0 : index
    %get3A_3 = arith.constant 0 : index
    %get3A_4 = vector.load %arg1[%get3A_2, %get3A_3] : memref<2048x768xf32, #tpu.memory_space<vmem>>, vector<2048x768xf32>
    %mul3A = arith.mulf %get3A_1, %get3A_4 : vector<2048x768xf32>
    %get3A_5 = arith.constant 0 : index
    %get3A_6 = arith.constant 0 : index
    %get3A_7 = vector.load %arg2[%get3A_5, %get3A_6] : memref<768x768xf32, #tpu.memory_space<vmem>>, vector<768x768xf32>
    %convert_element_type3A = arith.truncf %mul3A : vector<2048x768xf32> to vector<2048x768xbf16>
    %convert_element_type3A_8 = arith.truncf %get3A_7 : vector<768x768xf32> to vector<768x768xbf16>
    %dot_general3A = arith.constant dense<0.000000e+00> : vector<2048x768xf32>
    %dot_general3A_9 = tpu.matmul %convert_element_type3A, %convert_element_type3A_8, %dot_general3A {dimension_numbers = #tpu.dot_dimension_numbers<[1], [0], [0], [1], [0, 0, 1, 1], [], []>, transpose_lhs_hint = false} : vector<2048x768xbf16>, vector<768x768xbf16>, vector<2048x768xf32> -> vector<2048x768xf32>
    %swap3A = arith.constant 0 : index
    %swap3A_10 = arith.constant 0 : index
    %swap3A_11 = vector.load %arg3[%swap3A, %swap3A_10] : memref<2048x768xf32, #tpu.memory_space<vmem>>, vector<2048x768xf32>
    tpu.vector_store %arg3[%swap3A, %swap3A_10], %dot_general3A_9 {strides = array<i32>} : memref<2048x768xf32, #tpu.memory_space<vmem>>, vector<2048x768xf32>,
    return
  }
}

module attributes {stable_mosaic.version = 14 : i64} {
  func.func @_router_body(%arg0: memref<2048x768xf32, #tpu.memory_space<vmem>>, %arg1: memref<2048x8xf32, #tpu.memory_space<vmem>>, %arg2: memref<2048x768xf32, #tpu.memory_space<vmem>>, %arg3: memref<768x64xf32, #tpu.memory_space<vmem>>, %arg4: memref<768x64xf32, #tpu.memory_space<vmem>>, %arg5: memref<64x768xf32, #tpu.memory_space<vmem>>, %arg6: memref<2048x8xf32, #tpu.memory_space<vmem>>, %arg7: memref<2048x768xf32, #tpu.memory_space<vmem>>) attributes {dimension_semantics = [], scalar_prefetch = 0 : i64, scratch_operands = 0 : i64, tpu.core_type = #tpu.core_type<tc>} {
    %get3A = arith.constant 0 : index
    %get3A_0 = arith.constant 0 : index
    %get3A_1 = vector.load %arg0[%get3A, %get3A_0] : memref<2048x768xf32, #tpu.memory_space<vmem>>, vector<2048x768xf32>
    %iota3A = tpu.iota {dimensions = array<i32: 1>} : vector<2048x8xi32>
    %lt3A = arith.constant 6 : i32
    %lt3A_2 = vector.broadcast %lt3A : i32 to vector<2048x8xi32>
    %lt3A_3 = arith.cmpi slt, %iota3A, %lt3A_2 : vector<2048x8xi32>
    %get3A_4 = arith.constant 0 : index
    %get3A_5 = arith.constant 0 : index
    %get3A_6 = vector.load %arg1[%get3A_4, %get3A_5] : memref<2048x8xf32, #tpu.memory_space<vmem>>, vector<2048x8xf32>
    %jit3A = arith.constant 0xFF800000 : f32
    %broadcast_in_dim3A = vector.broadcast %jit3A : f32 to vector<2048x8xf32>
    %select_n3A = arith.select %lt3A_3, %get3A_6, %broadcast_in_dim3A : vector<2048x8xi1>, vector<2048x8xf32>
    %reduce_max3A = arith.constant dense<0xFF800000> : vector<2048xf32>
    %reduce_max3A_7 = vector.multi_reduction <maximumf>, %select_n3A, %reduce_max3A [1] : vector<2048x8xf32> to vector<2048xf32>
    %broadcast_in_dim3A_8 = vector.shape_cast %reduce_max3A_7 : vector<2048xf32> to vector<2048x1xf32>
    %eq3A = vector.broadcast %broadcast_in_dim3A_8 : vector<2048x1xf32> to vector<2048x8xf32>
    %eq3A_9 = arith.cmpf oeq, %select_n3A, %eq3A : vector<2048x8xf32>
    %jit3A_10 = arith.constant 1000 : i32
    %broadcast_in_dim3A_11 = vector.broadcast %jit3A_10 : i32 to vector<2048x8xi32>
    %select_n3A_12 = arith.select %eq3A_9, %iota3A, %broadcast_in_dim3A_11 : vector<2048x8xi1>, vector<2048x8xi32>
    %reduce_min3A = arith.constant dense<2147483647> : vector<2048xi32>
    %reduce_min3A_13 = vector.multi_reduction <minsi>, %select_n3A_12, %reduce_min3A [1] : vector<2048x8xi32> to vector<2048xi32>
    %broadcast_in_dim3A_14 = vector.shape_cast %reduce_min3A_13 : vector<2048xi32> to vector<2048x1xi32>
    %eq3A_15 = vector.broadcast %broadcast_in_dim3A_14 : vector<2048x1xi32> to vector<2048x8xi32>
    %eq3A_16 = arith.cmpi eq, %iota3A, %eq3A_15 : vector<2048x8xi32>
    %jit3A_17 = arith.constant 0xFF800000 : f32
    %broadcast_in_dim3A_18 = vector.broadcast %jit3A_17 : f32 to vector<2048x8xf32>
    %select_n3A_19 = arith.select %eq3A_16, %broadcast_in_dim3A_18, %select_n3A : vector<2048x8xi1>, vector<2048x8xf32>
    %reduce_max3A_20 = arith.constant dense<0xFF800000> : vector<2048xf32>
    %reduce_max3A_21 = vector.multi_reduction <maximumf>, %select_n3A_19, %reduce_max3A_20 [1] : vector<2048x8xf32> to vector<2048xf32>
    %broadcast_in_dim3A_22 = vector.shape_cast %reduce_max3A_21 : vector<2048xf32> to vector<2048x1xf32>
    %eq3A_23 = vector.broadcast %broadcast_in_dim3A_22 : vector<2048x1xf32> to vector<2048x8xf32>
    %eq3A_24 = arith.cmpf oeq, %select_n3A_19, %eq3A_23 : vector<2048x8xf32>
    %jit3A_25 = arith.constant 1000 : i32
    %broadcast_in_dim3A_26 = vector.broadcast %jit3A_25 : i32 to vector<2048x8xi32>
    %select_n3A_27 = arith.select %eq3A_24, %iota3A, %broadcast_in_dim3A_26 : vector<2048x8xi1>, vector<2048x8xi32>
    %reduce_min3A_28 = arith.constant dense<2147483647> : vector<2048xi32>
    %reduce_min3A_29 = vector.multi_reduction <minsi>, %select_n3A_27, %reduce_min3A_28 [1] : vector<2048x8xi32> to vector<2048xi32>
    %broadcast_in_dim3A_30 = vector.shape_cast %reduce_min3A_29 : vector<2048xi32> to vector<2048x1xi32>
    %convert_element_type3A = arith.sitofp %broadcast_in_dim3A_14 : vector<2048x1xi32> to vector<2048x1xf32>
    %convert_element_type3A_31 = arith.sitofp %broadcast_in_dim3A_30 : vector<2048x1xi32> to vector<2048x1xf32>
    %broadcast_in_dim3A_32 = arith.constant 0.000000e+00 : f32
    %broadcast_in_dim3A_33 = vector.broadcast %broadcast_in_dim3A_32 : f32 to vector<2048x4xf32>
    %concatenate3A = tpu.concatenate %broadcast_in_dim3A_8, %broadcast_in_dim3A_22, %convert_element_type3A, %convert_element_type3A_31, %broadcast_in_dim3A_33 in 1 : vector<2048x1xf32>, vector<2048x1xf32>, vector<2048x1xf32>, vector<2048x1xf32>, vector<2048x4xf32> -> vector<2048x8xf32>
    %swap3A = arith.constant 0 : index
    %swap3A_34 = arith.constant 0 : index
    %swap3A_35 = vector.load %arg6[%swap3A, %swap3A_34] : memref<2048x8xf32, #tpu.memory_space<vmem>>, vector<2048x8xf32>
    tpu.vector_store %arg6[%swap3A, %swap3A_34], %concatenate3A {strides = array<i32>} : memref<2048x8xf32, #tpu.memory_space<vmem>>, vector<2048x8xf32>,
    %get3A_36 = arith.constant 0 : index
    %get3A_37 = arith.constant 0 : index
    %get3A_38 = vector.load %arg3[%get3A_36, %get3A_37] : memref<768x64xf32, #tpu.memory_space<vmem>>, vector<768x64xf32>
    %convert_element_type3A_39 = arith.truncf %get3A_1 : vector<2048x768xf32> to vector<2048x768xbf16>
    %convert_element_type3A_40 = arith.truncf %get3A_38 : vector<768x64xf32> to vector<768x64xbf16>
    %dot_general3A = arith.constant dense<0.000000e+00> : vector<2048x64xf32>
    %dot_general3A_41 = tpu.matmul %convert_element_type3A_39, %convert_element_type3A_40, %dot_general3A {dimension_numbers = #tpu.dot_dimension_numbers<[1], [0], [0], [1], [0, 0, 1, 1], [], []>, transpose_lhs_hint = false} : vector<2048x768xbf16>, vector<768x64xbf16>, vector<2048x64xf32> -> vector<2048x64xf32>
    %get3A_42 = arith.constant 0 : index
    %get3A_43 = arith.constant 0 : index
    %get3A_44 = vector.load %arg2[%get3A_42, %get3A_43] : memref<2048x768xf32, #tpu.memory_space<vmem>>, vector<2048x768xf32>
    %get3A_45 = arith.constant 0 : index
    %get3A_46 = arith.constant 0 : index
    %get3A_47 = vector.load %arg4[%get3A_45, %get3A_46] : memref<768x64xf32, #tpu.memory_space<vmem>>, vector<768x64xf32>
    %convert_element_type3A_48 = arith.truncf %get3A_44 : vector<2048x768xf32> to vector<2048x768xbf16>
    %convert_element_type3A_49 = arith.truncf %get3A_47 : vector<768x64xf32> to vector<768x64xbf16>
    %dot_general3A_50 = arith.constant dense<0.000000e+00> : vector<2048x64xf32>
    %dot_general3A_51 = tpu.matmul %convert_element_type3A_48, %convert_element_type3A_49, %dot_general3A_50 {dimension_numbers = #tpu.dot_dimension_numbers<[1], [0], [0], [1], [0, 0, 1, 1], [], []>, transpose_lhs_hint = false} : vector<2048x768xbf16>, vector<768x64xbf16>, vector<2048x64xf32> -> vector<2048x64xf32>
    %add3A = arith.addf %dot_general3A_41, %dot_general3A_51 : vector<2048x64xf32>
    %tanh3A = math.tanh %add3A : vector<2048x64xf32>
    %get3A_52 = arith.constant 0 : index
    %get3A_53 = arith.constant 0 : index
    %get3A_54 = vector.load %arg5[%get3A_52, %get3A_53] : memref<64x768xf32, #tpu.memory_space<vmem>>, vector<64x768xf32>
    %convert_element_type3A_55 = arith.truncf %tanh3A : vector<2048x64xf32> to vector<2048x64xbf16>
    %convert_element_type3A_56 = arith.truncf %get3A_54 : vector<64x768xf32> to vector<64x768xbf16>
    %dot_general3A_57 = arith.constant dense<0.000000e+00> : vector<2048x768xf32>
    %dot_general3A_58 = tpu.matmul %convert_element_type3A_55, %convert_element_type3A_56, %dot_general3A_57 {dimension_numbers = #tpu.dot_dimension_numbers<[1], [0], [0], [1], [0, 0, 1, 1], [], []>, transpose_lhs_hint = false} : vector<2048x64xbf16>, vector<64x768xbf16>, vector<2048x768xf32> -> vector<2048x768xf32>
    %swap3A_59 = arith.constant 0 : index
    %swap3A_60 = arith.constant 0 : index
    %swap3A_61 = vector.load %arg7[%swap3A_59, %swap3A_60] : memref<2048x768xf32, #tpu.memory_space<vmem>>, vector<2048x768xf32>
    tpu.vector_store %arg7[%swap3A_59, %swap3A_60], %dot_general3A_58 {strides = array<i32>} : memref<2048x768xf32, #tpu.memory_space<vmem>>, vector<2048x768xf32>,
    return
  }
}

module attributes {stable_mosaic.version = 14 : i64} {
  func.func @_mm_add_body(%arg0: memref<2048x768xf32, #tpu.memory_space<vmem>>, %arg1: memref<2048x768xbf16, #tpu.memory_space<vmem>>, %arg2: memref<768x768xf32, #tpu.memory_space<vmem>>, %arg3: memref<2048x768xf32, #tpu.memory_space<vmem>>) attributes {dimension_semantics = [], scalar_prefetch = 0 : i64, scratch_operands = 0 : i64, tpu.core_type = #tpu.core_type<tc>} {
    %get3A = arith.constant 0 : index
    %get3A_0 = arith.constant 0 : index
    %get3A_1 = vector.load %arg0[%get3A, %get3A_0] : memref<2048x768xf32, #tpu.memory_space<vmem>>, vector<2048x768xf32>
    %get3A_2 = arith.constant 0 : index
    %get3A_3 = arith.constant 0 : index
    %get3A_4 = vector.load %arg1[%get3A_2, %get3A_3] : memref<2048x768xbf16, #tpu.memory_space<vmem>>, vector<2048x768xbf16>
    %get3A_5 = arith.constant 0 : index
    %get3A_6 = arith.constant 0 : index
    %get3A_7 = vector.load %arg2[%get3A_5, %get3A_6] : memref<768x768xf32, #tpu.memory_space<vmem>>, vector<768x768xf32>
    %convert_element_type3A = arith.truncf %get3A_7 : vector<768x768xf32> to vector<768x768xbf16>
    %dot_general3A = arith.constant dense<0.000000e+00> : vector<2048x768xf32>
    %dot_general3A_8 = tpu.matmul %get3A_4, %convert_element_type3A, %dot_general3A {dimension_numbers = #tpu.dot_dimension_numbers<[1], [0], [0], [1], [0, 0, 1, 1], [], []>, transpose_lhs_hint = false} : vector<2048x768xbf16>, vector<768x768xbf16>, vector<2048x768xf32> -> vector<2048x768xf32>
    %add3A = arith.addf %get3A_1, %dot_general3A_8 : vector<2048x768xf32>
    %swap3A = arith.constant 0 : index
    %swap3A_9 = arith.constant 0 : index
    %swap3A_10 = vector.load %arg3[%swap3A, %swap3A_9] : memref<2048x768xf32, #tpu.memory_space<vmem>>, vector<2048x768xf32>
    tpu.vector_store %arg3[%swap3A, %swap3A_9], %add3A {strides = array<i32>} : memref<2048x768xf32, #tpu.memory_space<vmem>>, vector<2048x768xf32>,
    return
  }
}

module attributes {stable_mosaic.version = 14 : i64} {
  func.func @_mm_body(%arg0: memref<2048x768xbf16, #tpu.memory_space<vmem>>, %arg1: memref<768x768xf32, #tpu.memory_space<vmem>>, %arg2: memref<2048x768xf32, #tpu.memory_space<vmem>>) attributes {dimension_semantics = [], scalar_prefetch = 0 : i64, scratch_operands = 0 : i64, tpu.core_type = #tpu.core_type<tc>} {
    %get3A = arith.constant 0 : index
    %get3A_0 = arith.constant 0 : index
    %get3A_1 = vector.load %arg0[%get3A, %get3A_0] : memref<2048x768xbf16, #tpu.memory_space<vmem>>, vector<2048x768xbf16>
    %get3A_2 = arith.constant 0 : index
    %get3A_3 = arith.constant 0 : index
    %get3A_4 = vector.load %arg1[%get3A_2, %get3A_3] : memref<768x768xf32, #tpu.memory_space<vmem>>, vector<768x768xf32>
    %convert_element_type3A = arith.truncf %get3A_4 : vector<768x768xf32> to vector<768x768xbf16>
    %dot_general3A = arith.constant dense<0.000000e+00> : vector<2048x768xf32>
    %dot_general3A_5 = tpu.matmul %get3A_1, %convert_element_type3A, %dot_general3A {dimension_numbers = #tpu.dot_dimension_numbers<[1], [0], [0], [1], [0, 0, 1, 1], [], []>, transpose_lhs_hint = false} : vector<2048x768xbf16>, vector<768x768xbf16>, vector<2048x768xf32> -> vector<2048x768xf32>
    %swap3A = arith.constant 0 : index
    %swap3A_6 = arith.constant 0 : index
    %swap3A_7 = vector.load %arg2[%swap3A, %swap3A_6] : memref<2048x768xf32, #tpu.memory_space<vmem>>, vector<2048x768xf32>
    tpu.vector_store %arg2[%swap3A, %swap3A_6], %dot_general3A_5 {strides = array<i32>} : memref<2048x768xf32, #tpu.memory_space<vmem>>, vector<2048x768xf32>,
    return
  }
}

module attributes {stable_mosaic.version = 14 : i64} {
  func.func @_mm_body(%arg0: memref<2048x768xbf16, #tpu.memory_space<vmem>>, %arg1: memref<768x1536xf32, #tpu.memory_space<vmem>>, %arg2: memref<2048x1536xf32, #tpu.memory_space<vmem>>) attributes {dimension_semantics = [], scalar_prefetch = 0 : i64, scratch_operands = 0 : i64, tpu.core_type = #tpu.core_type<tc>} {
    %get3A = arith.constant 0 : index
    %get3A_0 = arith.constant 0 : index
    %get3A_1 = vector.load %arg0[%get3A, %get3A_0] : memref<2048x768xbf16, #tpu.memory_space<vmem>>, vector<2048x768xbf16>
    %get3A_2 = arith.constant 0 : index
    %get3A_3 = arith.constant 0 : index
    %get3A_4 = vector.load %arg1[%get3A_2, %get3A_3] : memref<768x1536xf32, #tpu.memory_space<vmem>>, vector<768x1536xf32>
    %convert_element_type3A = arith.truncf %get3A_4 : vector<768x1536xf32> to vector<768x1536xbf16>
    %dot_general3A = arith.constant dense<0.000000e+00> : vector<2048x1536xf32>
    %dot_general3A_5 = tpu.matmul %get3A_1, %convert_element_type3A, %dot_general3A {dimension_numbers = #tpu.dot_dimension_numbers<[1], [0], [0], [1], [0, 0, 1, 1], [], []>, transpose_lhs_hint = false} : vector<2048x768xbf16>, vector<768x1536xbf16>, vector<2048x1536xf32> -> vector<2048x1536xf32>
    %swap3A = arith.constant 0 : index
    %swap3A_6 = arith.constant 0 : index
    %swap3A_7 = vector.load %arg2[%swap3A, %swap3A_6] : memref<2048x1536xf32, #tpu.memory_space<vmem>>, vector<2048x1536xf32>
    tpu.vector_store %arg2[%swap3A, %swap3A_6], %dot_general3A_5 {strides = array<i32>} : memref<2048x1536xf32, #tpu.memory_space<vmem>>, vector<2048x1536xf32>,
    return
  }
}

module attributes {stable_mosaic.version = 14 : i64} {
  func.func @_mm_body(%arg0: memref<2048x768xf32, #tpu.memory_space<vmem>>, %arg1: memref<768x768xf32, #tpu.memory_space<vmem>>, %arg2: memref<2048x768xf32, #tpu.memory_space<vmem>>) attributes {dimension_semantics = [], scalar_prefetch = 0 : i64, scratch_operands = 0 : i64, tpu.core_type = #tpu.core_type<tc>} {
    %get3A = arith.constant 0 : index
    %get3A_0 = arith.constant 0 : index
    %get3A_1 = vector.load %arg0[%get3A, %get3A_0] : memref<2048x768xf32, #tpu.memory_space<vmem>>, vector<2048x768xf32>
    %get3A_2 = arith.constant 0 : index
    %get3A_3 = arith.constant 0 : index
    %get3A_4 = vector.load %arg1[%get3A_2, %get3A_3] : memref<768x768xf32, #tpu.memory_space<vmem>>, vector<768x768xf32>
    %convert_element_type3A = arith.truncf %get3A_1 : vector<2048x768xf32> to vector<2048x768xbf16>
    %convert_element_type3A_5 = arith.truncf %get3A_4 : vector<768x768xf32> to vector<768x768xbf16>
    %dot_general3A = arith.constant dense<0.000000e+00> : vector<2048x768xf32>
    %dot_general3A_6 = tpu.matmul %convert_element_type3A, %convert_element_type3A_5, %dot_general3A {dimension_numbers = #tpu.dot_dimension_numbers<[1], [0], [0], [1], [0, 0, 1, 1], [], []>, transpose_lhs_hint = false} : vector<2048x768xbf16>, vector<768x768xbf16>, vector<2048x768xf32> -> vector<2048x768xf32>
    %swap3A = arith.constant 0 : index
    %swap3A_7 = arith.constant 0 : index
    %swap3A_8 = vector.load %arg2[%swap3A, %swap3A_7] : memref<2048x768xf32, #tpu.memory_space<vmem>>, vector<2048x768xf32>
    tpu.vector_store %arg2[%swap3A, %swap3A_7], %dot_general3A_6 {strides = array<i32>} : memref<2048x768xf32, #tpu.memory_space<vmem>>, vector<2048x768xf32>,
    return
  }
}

module attributes {stable_mosaic.version = 14 : i64} {
  func.func @_relu2_mm_body(%arg0: memref<2048x1536xf32, #tpu.memory_space<vmem>>, %arg1: memref<1536x768xf32, #tpu.memory_space<vmem>>, %arg2: memref<2048x768xf32, #tpu.memory_space<vmem>>) attributes {dimension_semantics = [], scalar_prefetch = 0 : i64, scratch_operands = 0 : i64, tpu.core_type = #tpu.core_type<tc>} {
    %get3A = arith.constant 0 : index
    %get3A_0 = arith.constant 0 : index
    %get3A_1 = vector.load %arg0[%get3A, %get3A_0] : memref<2048x1536xf32, #tpu.memory_space<vmem>>, vector<2048x1536xf32>
    %max3A = arith.constant 0.000000e+00 : f32
    %max3A_2 = vector.broadcast %max3A : f32 to vector<2048x1536xf32>
    %max3A_3 = arith.maximumf %get3A_1, %max3A_2 : vector<2048x1536xf32>
    %square3A = arith.mulf %max3A_3, %max3A_3 : vector<2048x1536xf32>
    %get3A_4 = arith.constant 0 : index
    %get3A_5 = arith.constant 0 : index
    %get3A_6 = vector.load %arg1[%get3A_4, %get3A_5] : memref<1536x768xf32, #tpu.memory_space<vmem>>, vector<1536x768xf32>
    %convert_element_type3A = arith.truncf %square3A : vector<2048x1536xf32> to vector<2048x1536xbf16>
    %convert_element_type3A_7 = arith.truncf %get3A_6 : vector<1536x768xf32> to vector<1536x768xbf16>
    %dot_general3A = arith.constant dense<0.000000e+00> : vector<2048x768xf32>
    %dot_general3A_8 = tpu.matmul %convert_element_type3A, %convert_element_type3A_7, %dot_general3A {dimension_numbers = #tpu.dot_dimension_numbers<[1], [0], [0], [1], [0, 0, 1, 1], [], []>, transpose_lhs_hint = false} : vector<2048x1536xbf16>, vector<1536x768xbf16>, vector<2048x768xf32> -> vector<2048x768xf32>
    %swap3A = arith.constant 0 : index
    %swap3A_9 = arith.constant 0 : index
    %swap3A_10 = vector.load %arg2[%swap3A, %swap3A_9] : memref<2048x768xf32, #tpu.memory_space<vmem>>, vector<2048x768xf32>
    tpu.vector_store %arg2[%swap3A, %swap3A_9], %dot_general3A_8 {strides = array<i32>} : memref<2048x768xf32, #tpu.memory_space<vmem>>, vector<2048x768xf32>,
    return
  }
}

module attributes {stable_mosaic.version = 14 : i64} {
  func.func @_scan_body1(%arg0: i32, %arg1: memref<256x768xf32, #tpu.memory_space<vmem>>, %arg2: memref<256x768xf32, #tpu.memory_space<vmem>>, %arg3: memref<256x768xf32, #tpu.memory_space<vmem>>, %arg4: memref<256x768xf32, #tpu.memory_space<vmem>>, %arg5: memref<256x768xf32, #tpu.memory_space<vmem>>, %arg6: memref<256x768xf32, #tpu.memory_space<vmem>>, %arg7: memref<1x768xf32, #tpu.memory_space<vmem>>, %arg8: memref<256x768xf32, #tpu.memory_space<vmem>>, %arg9: memref<256x768xf32, #tpu.memory_space<vmem>>) attributes {dimension_semantics = [#tpu.dimension_semantics<arbitrary>], iteration_bounds = array<i64: 8>, scalar_prefetch = 0 : i64, scratch_operands = 3 : i64, tpu.core_type = #tpu.core_type<tc>, window_params = [{transform_indices = @transform_0, window_bounds = array<i64: 256, 768>}, {transform_indices = @transform_1, window_bounds = array<i64: 256, 768>}, {transform_indices = @transform_2, window_bounds = array<i64: 256, 768>}, {transform_indices = @transform_3, window_bounds = array<i64: 256, 768>}, {transform_indices = @transform_4, window_bounds = array<i64: 256, 768>}, {transform_indices = @transform_5, window_bounds = array<i64: 256, 768>}]} {
    %get3A = arith.constant 0 : index
    %get3A_0 = arith.constant 0 : index
    %get3A_1 = vector.load %arg1[%get3A, %get3A_0] : memref<256x768xf32, #tpu.memory_space<vmem>>, vector<256x768xf32>
    %logistic3A = arith.negf %get3A_1 : vector<256x768xf32>
    %logistic3A_2 = math.exp %logistic3A : vector<256x768xf32>
    %logistic3A_3 = arith.constant 1.000000e+00 : f32
    %logistic3A_4 = vector.broadcast %logistic3A_3 : f32 to vector<256x768xf32>
    %logistic3A_5 = arith.addf %logistic3A_4, %logistic3A_2 : vector<256x768xf32>
    %logistic3A_6 = arith.divf %logistic3A_4, %logistic3A_5 : vector<256x768xf32>
    %get3A_7 = arith.constant 0 : index
    %get3A_8 = arith.constant 0 : index
    %get3A_9 = vector.load %arg3[%get3A_7, %get3A_8] : memref<256x768xf32, #tpu.memory_space<vmem>>, vector<256x768xf32>
    %get3A_10 = arith.constant 0 : index
    %get3A_11 = arith.constant 0 : index
    %get3A_12 = vector.load %arg4[%get3A_10, %get3A_11] : memref<256x768xf32, #tpu.memory_space<vmem>>, vector<256x768xf32>
    %logistic3A_13 = arith.negf %get3A_12 : vector<256x768xf32>
    %logistic3A_14 = math.exp %logistic3A_13 : vector<256x768xf32>
    %logistic3A_15 = arith.constant 1.000000e+00 : f32
    %logistic3A_16 = vector.broadcast %logistic3A_15 : f32 to vector<256x768xf32>
    %logistic3A_17 = arith.addf %logistic3A_16, %logistic3A_14 : vector<256x768xf32>
    %logistic3A_18 = arith.divf %logistic3A_16, %logistic3A_17 : vector<256x768xf32>
    %get3A_19 = arith.constant 0 : index
    %get3A_20 = arith.constant 0 : index
    %get3A_21 = vector.load %arg5[%get3A_19, %get3A_20] : memref<256x768xf32, #tpu.memory_space<vmem>>, vector<256x768xf32>
    %sub3A = arith.subf %get3A_21, %get3A_9 : vector<256x768xf32>
    %mul3A = arith.mulf %sub3A, %logistic3A_18 : vector<256x768xf32>
    %add3A = arith.addf %get3A_9, %mul3A : vector<256x768xf32>
    %swap3A = arith.constant 0 : index
    %swap3A_22 = arith.constant 0 : index
    %swap3A_23 = vector.load %arg8[%swap3A, %swap3A_22] : memref<256x768xf32, #tpu.memory_space<vmem>>, vector<256x768xf32>
    tpu.vector_store %arg8[%swap3A, %swap3A_22], %logistic3A_6 {strides = array<i32>} : memref<256x768xf32, #tpu.memory_space<vmem>>, vector<256x768xf32>,
    %get3A_24 = arith.constant 0 : index
    %get3A_25 = arith.constant 0 : index
    %get3A_26 = vector.load %arg2[%get3A_24, %get3A_25] : memref<256x768xf32, #tpu.memory_space<vmem>>, vector<256x768xf32>
    %mul3A_27 = arith.mulf %get3A_26, %add3A : vector<256x768xf32>
    %swap3A_28 = arith.constant 0 : index
    %swap3A_29 = arith.constant 0 : index
    %swap3A_30 = vector.load %arg9[%swap3A_28, %swap3A_29] : memref<256x768xf32, #tpu.memory_space<vmem>>, vector<256x768xf32>
    tpu.vector_store %arg9[%swap3A_28, %swap3A_29], %mul3A_27 {strides = array<i32>} : memref<256x768xf32, #tpu.memory_space<vmem>>, vector<256x768xf32>,
    %eq3A = arith.constant 0 : i32
    %eq3A_31 = arith.cmpi eq, %arg0, %eq3A : i32
    %convert_element_type3A = arith.extui %eq3A_31 : i1 to i32
    %cond3A = arith.constant 0 : i32
    %cond3A_32 = arith.cmpi ne, %convert_element_type3A, %cond3A : i32
    scf.if %cond3A_32 {
      %broadcast_in_dim3A = arith.constant 0.000000e+00 : f32
      %broadcast_in_dim3A_44 = vector.broadcast %broadcast_in_dim3A : f32 to vector<1x768xf32>
      %swap3A_45 = arith.constant 0 : index
      %swap3A_46 = arith.constant 0 : index
      %swap3A_47 = vector.load %arg7[%swap3A_45, %swap3A_46] : memref<1x768xf32, #tpu.memory_space<vmem>>, vector<1x768xf32>
      tpu.vector_store %arg7[%swap3A_45, %swap3A_46], %broadcast_in_dim3A_44 {strides = array<i32>} : memref<1x768xf32, #tpu.memory_space<vmem>>, vector<1x768xf32>,
    } else {
    }
    %get3A_33 = arith.constant 0 : index
    %get3A_34 = arith.constant 0 : index
    %get3A_35 = vector.load %arg7[%get3A_33, %get3A_34] : memref<1x768xf32, #tpu.memory_space<vmem>>, vector<1x768xf32>
    %scan3A = arith.constant 0 : i32
    %scan3A_36 = arith.constant 256 : i32
    %scan3A_37 = arith.addi %scan3A, %scan3A_36 : i32
    %scan3A_38 = arith.constant 8 : i32
    %scan3A_39 = scf.for %scan3A_44 = %scan3A to %scan3A_37 step %scan3A_38 iter_args(%scan3A_45 = %get3A_35) -> (vector<1x768xf32>)  : i32 {
      %get3A_46 = arith.index_cast %scan3A_44 : i32 to index
      %get3A_47 = arith.constant 0 : index
      %get3A_48 = vector.load %arg8[%get3A_46, %get3A_47] : memref<256x768xf32, #tpu.memory_space<vmem>>, vector<1x768xf32>
      %mul3A_49 = arith.mulf %get3A_48, %scan3A_45 : vector<1x768xf32>
      %get3A_50 = arith.index_cast %scan3A_44 : i32 to index
      %get3A_51 = arith.constant 0 : index
      %get3A_52 = vector.load %arg9[%get3A_50, %get3A_51] : memref<256x768xf32, #tpu.memory_space<vmem>>, vector<1x768xf32>
      %add3A_53 = arith.addf %mul3A_49, %get3A_52 : vector<1x768xf32>
      %swap3A_54 = arith.index_cast %scan3A_44 : i32 to index
      %swap3A_55 = arith.constant 0 : index
      %swap3A_56 = vector.load %arg6[%swap3A_54, %swap3A_55] : memref<256x768xf32, #tpu.memory_space<vmem>>, vector<1x768xf32>
      tpu.vector_store %arg6[%swap3A_54, %swap3A_55], %add3A_53 {strides = array<i32>} : memref<256x768xf32, #tpu.memory_space<vmem>>, vector<1x768xf32>,
      %scan3A_57 = arith.constant 1 : i32
      %scan3A_58 = arith.addi %scan3A_44, %scan3A_57 : i32
      %get3A_59 = arith.index_cast %scan3A_58 : i32 to index
      %get3A_60 = arith.constant 0 : index
      %get3A_61 = vector.load %arg8[%get3A_59, %get3A_60] : memref<256x768xf32, #tpu.memory_space<vmem>>, vector<1x768xf32>
      %mul3A_62 = arith.mulf %get3A_61, %add3A_53 : vector<1x768xf32>
      %get3A_63 = arith.index_cast %scan3A_58 : i32 to index
      %get3A_64 = arith.constant 0 : index
      %get3A_65 = vector.load %arg9[%get3A_63, %get3A_64] : memref<256x768xf32, #tpu.memory_space<vmem>>, vector<1x768xf32>
      %add3A_66 = arith.addf %mul3A_62, %get3A_65 : vector<1x768xf32>
      %swap3A_67 = arith.index_cast %scan3A_58 : i32 to index
      %swap3A_68 = arith.constant 0 : index
      %swap3A_69 = vector.load %arg6[%swap3A_67, %swap3A_68] : memref<256x768xf32, #tpu.memory_space<vmem>>, vector<1x768xf32>
      tpu.vector_store %arg6[%swap3A_67, %swap3A_68], %add3A_66 {strides = array<i32>} : memref<256x768xf32, #tpu.memory_space<vmem>>, vector<1x768xf32>,
      %scan3A_70 = arith.constant 2 : i32
      %scan3A_71 = arith.addi %scan3A_44, %scan3A_70 : i32
      %get3A_72 = arith.index_cast %scan3A_71 : i32 to index
      %get3A_73 = arith.constant 0 : index
      %get3A_74 = vector.load %arg8[%get3A_72, %get3A_73] : memref<256x768xf32, #tpu.memory_space<vmem>>, vector<1x768xf32>
      %mul3A_75 = arith.mulf %get3A_74, %add3A_66 : vector<1x768xf32>
      %get3A_76 = arith.index_cast %scan3A_71 : i32 to index
      %get3A_77 = arith.constant 0 : index
      %get3A_78 = vector.load %arg9[%get3A_76, %get3A_77] : memref<256x768xf32, #tpu.memory_space<vmem>>, vector<1x768xf32>
      %add3A_79 = arith.addf %mul3A_75, %get3A_78 : vector<1x768xf32>
      %swap3A_80 = arith.index_cast %scan3A_71 : i32 to index
      %swap3A_81 = arith.constant 0 : index
      %swap3A_82 = vector.load %arg6[%swap3A_80, %swap3A_81] : memref<256x768xf32, #tpu.memory_space<vmem>>, vector<1x768xf32>
      tpu.vector_store %arg6[%swap3A_80, %swap3A_81], %add3A_79 {strides = array<i32>} : memref<256x768xf32, #tpu.memory_space<vmem>>, vector<1x768xf32>,
      %scan3A_83 = arith.constant 3 : i32
      %scan3A_84 = arith.addi %scan3A_44, %scan3A_83 : i32
      %get3A_85 = arith.index_cast %scan3A_84 : i32 to index
      %get3A_86 = arith.constant 0 : index
      %get3A_87 = vector.load %arg8[%get3A_85, %get3A_86] : memref<256x768xf32, #tpu.memory_space<vmem>>, vector<1x768xf32>
      %mul3A_88 = arith.mulf %get3A_87, %add3A_79 : vector<1x768xf32>
      %get3A_89 = arith.index_cast %scan3A_84 : i32 to index
      %get3A_90 = arith.constant 0 : index
      %get3A_91 = vector.load %arg9[%get3A_89, %get3A_90] : memref<256x768xf32, #tpu.memory_space<vmem>>, vector<1x768xf32>
      %add3A_92 = arith.addf %mul3A_88, %get3A_91 : vector<1x768xf32>
      %swap3A_93 = arith.index_cast %scan3A_84 : i32 to index
      %swap3A_94 = arith.constant 0 : index
      %swap3A_95 = vector.load %arg6[%swap3A_93, %swap3A_94] : memref<256x768xf32, #tpu.memory_space<vmem>>, vector<1x768xf32>
      tpu.vector_store %arg6[%swap3A_93, %swap3A_94], %add3A_92 {strides = array<i32>} : memref<256x768xf32, #tpu.memory_space<vmem>>, vector<1x768xf32>,
      %scan3A_96 = arith.constant 4 : i32
      %scan3A_97 = arith.addi %scan3A_44, %scan3A_96 : i32
      %get3A_98 = arith.index_cast %scan3A_97 : i32 to index
      %get3A_99 = arith.constant 0 : index
      %get3A_100 = vector.load %arg8[%get3A_98, %get3A_99] : memref<256x768xf32, #tpu.memory_space<vmem>>, vector<1x768xf32>
      %mul3A_101 = arith.mulf %get3A_100, %add3A_92 : vector<1x768xf32>
      %get3A_102 = arith.index_cast %scan3A_97 : i32 to index
      %get3A_103 = arith.constant 0 : index
      %get3A_104 = vector.load %arg9[%get3A_102, %get3A_103] : memref<256x768xf32, #tpu.memory_space<vmem>>, vector<1x768xf32>
      %add3A_105 = arith.addf %mul3A_101, %get3A_104 : vector<1x768xf32>
      %swap3A_106 = arith.index_cast %scan3A_97 : i32 to index
      %swap3A_107 = arith.constant 0 : index
      %swap3A_108 = vector.load %arg6[%swap3A_106, %swap3A_107] : memref<256x768xf32, #tpu.memory_space<vmem>>, vector<1x768xf32>
      tpu.vector_store %arg6[%swap3A_106, %swap3A_107], %add3A_105 {strides = array<i32>} : memref<256x768xf32, #tpu.memory_space<vmem>>, vector<1x768xf32>,
      %scan3A_109 = arith.constant 5 : i32
      %scan3A_110 = arith.addi %scan3A_44, %scan3A_109 : i32
      %get3A_111 = arith.index_cast %scan3A_110 : i32 to index
      %get3A_112 = arith.constant 0 : index
      %get3A_113 = vector.load %arg8[%get3A_111, %get3A_112] : memref<256x768xf32, #tpu.memory_space<vmem>>, vector<1x768xf32>
      %mul3A_114 = arith.mulf %get3A_113, %add3A_105 : vector<1x768xf32>
      %get3A_115 = arith.index_cast %scan3A_110 : i32 to index
      %get3A_116 = arith.constant 0 : index
      %get3A_117 = vector.load %arg9[%get3A_115, %get3A_116] : memref<256x768xf32, #tpu.memory_space<vmem>>, vector<1x768xf32>
      %add3A_118 = arith.addf %mul3A_114, %get3A_117 : vector<1x768xf32>
      %swap3A_119 = arith.index_cast %scan3A_110 : i32 to index
      %swap3A_120 = arith.constant 0 : index
      %swap3A_121 = vector.load %arg6[%swap3A_119, %swap3A_120] : memref<256x768xf32, #tpu.memory_space<vmem>>, vector<1x768xf32>
      tpu.vector_store %arg6[%swap3A_119, %swap3A_120], %add3A_118 {strides = array<i32>} : memref<256x768xf32, #tpu.memory_space<vmem>>, vector<1x768xf32>,
      %scan3A_122 = arith.constant 6 : i32
      %scan3A_123 = arith.addi %scan3A_44, %scan3A_122 : i32
      %get3A_124 = arith.index_cast %scan3A_123 : i32 to index
      %get3A_125 = arith.constant 0 : index
      %get3A_126 = vector.load %arg8[%get3A_124, %get3A_125] : memref<256x768xf32, #tpu.memory_space<vmem>>, vector<1x768xf32>
      %mul3A_127 = arith.mulf %get3A_126, %add3A_118 : vector<1x768xf32>
      %get3A_128 = arith.index_cast %scan3A_123 : i32 to index
      %get3A_129 = arith.constant 0 : index
      %get3A_130 = vector.load %arg9[%get3A_128, %get3A_129] : memref<256x768xf32, #tpu.memory_space<vmem>>, vector<1x768xf32>
      %add3A_131 = arith.addf %mul3A_127, %get3A_130 : vector<1x768xf32>
      %swap3A_132 = arith.index_cast %scan3A_123 : i32 to index
      %swap3A_133 = arith.constant 0 : index
      %swap3A_134 = vector.load %arg6[%swap3A_132, %swap3A_133] : memref<256x768xf32, #tpu.memory_space<vmem>>, vector<1x768xf32>
      tpu.vector_store %arg6[%swap3A_132, %swap3A_133], %add3A_131 {strides = array<i32>} : memref<256x768xf32, #tpu.memory_space<vmem>>, vector<1x768xf32>,
      %scan3A_135 = arith.constant 7 : i32
      %scan3A_136 = arith.addi %scan3A_44, %scan3A_135 : i32
      %get3A_137 = arith.index_cast %scan3A_136 : i32 to index
      %get3A_138 = arith.constant 0 : index
      %get3A_139 = vector.load %arg8[%get3A_137, %get3A_138] : memref<256x768xf32, #tpu.memory_space<vmem>>, vector<1x768xf32>
      %mul3A_140 = arith.mulf %get3A_139, %add3A_131 : vector<1x768xf32>
      %get3A_141 = arith.index_cast %scan3A_136 : i32 to index
      %get3A_142 = arith.constant 0 : index
      %get3A_143 = vector.load %arg9[%get3A_141, %get3A_142] : memref<256x768xf32, #tpu.memory_space<vmem>>, vector<1x768xf32>
      %add3A_144 = arith.addf %mul3A_140, %get3A_143 : vector<1x768xf32>
      %swap3A_145 = arith.index_cast %scan3A_136 : i32 to index
      %swap3A_146 = arith.constant 0 : index
      %swap3A_147 = vector.load %arg6[%swap3A_145, %swap3A_146] : memref<256x768xf32, #tpu.memory_space<vmem>>, vector<1x768xf32>
      tpu.vector_store %arg6[%swap3A_145, %swap3A_146], %add3A_144 {strides = array<i32>} : memref<256x768xf32, #tpu.memory_space<vmem>>, vector<1x768xf32>,
      scf.yield %add3A_144 : vector<1x768xf32>
    }
    %scan3A_40 = arith.constant 256 : i32
    %swap3A_41 = arith.constant 0 : index
    %swap3A_42 = arith.constant 0 : index
    %swap3A_43 = vector.load %arg7[%swap3A_41, %swap3A_42] : memref<1x768xf32, #tpu.memory_space<vmem>>, vector<1x768xf32>
    tpu.vector_store %arg7[%swap3A_41, %swap3A_42], %scan3A_39 {strides = array<i32>} : memref<1x768xf32, #tpu.memory_space<vmem>>, vector<1x768xf32>,
    return
  }
  func.func @transform_0(%arg0: i32) -> (i32, i32) {
    %c0_i32 = arith.constant 0 : i32
    %c0_i32_0 = arith.constant 0 : i32
    return %arg0, %c0_i32 : i32, i32
  }
  func.func @transform_1(%arg0: i32) -> (i32, i32) {
    %c0_i32 = arith.constant 0 : i32
    %c0_i32_0 = arith.constant 0 : i32
    return %arg0, %c0_i32 : i32, i32
  }
  func.func @transform_2(%arg0: i32) -> (i32, i32) {
    %c0_i32 = arith.constant 0 : i32
    %c0_i32_0 = arith.constant 0 : i32
    return %arg0, %c0_i32 : i32, i32
  }
  func.func @transform_3(%arg0: i32) -> (i32, i32) {
    %c0_i32 = arith.constant 0 : i32
    %c0_i32_0 = arith.constant 0 : i32
    return %arg0, %c0_i32 : i32, i32
  }
  func.func @transform_4(%arg0: i32) -> (i32, i32) {
    %c0_i32 = arith.constant 0 : i32
    %c0_i32_0 = arith.constant 0 : i32
    return %arg0, %c0_i32 : i32, i32
  }
  func.func @transform_5(%arg0: i32) -> (i32, i32) {
    %c0_i32 = arith.constant 0 : i32
    %c0_i32_0 = arith.constant 0 : i32
    return %arg0, %c0_i32 : i32, i32
  }
}

module attributes {stable_mosaic.version = 14 : i64} {
  func.func @_head_body(%arg0: i32, %arg1: memref<2048x768xbf16, #tpu.memory_space<vmem>>, %arg2: memref<768x640xbf16, #tpu.memory_space<vmem>>, %arg3: memref<2048x640xf32, #tpu.memory_space<vmem>>) attributes {dimension_semantics = [#tpu.dimension_semantics<parallel>], iteration_bounds = array<i64: 25>, scalar_prefetch = 0 : i64, scratch_operands = 0 : i64, tpu.core_type = #tpu.core_type<tc>, window_params = [{pipeline_mode = #tpu.pipeline_mode<synchronous>, transform_indices = @transform_0, window_bounds = array<i64: 2048, 768>}, {transform_indices = @transform_1, window_bounds = array<i64: 768, 640>}, {transform_indices = @transform_2, window_bounds = array<i64: 2048, 640>}]} {
    %get3A = arith.constant 0 : index
    %get3A_0 = arith.constant 0 : index
    %get3A_1 = vector.load %arg1[%get3A, %get3A_0] : memref<2048x768xbf16, #tpu.memory_space<vmem>>, vector<2048x768xbf16>
    %get3A_2 = arith.constant 0 : index
    %get3A_3 = arith.constant 0 : index
    %get3A_4 = vector.load %arg2[%get3A_2, %get3A_3] : memref<768x640xbf16, #tpu.memory_space<vmem>>, vector<768x640xbf16>
    %dot_general3A = arith.constant dense<0.000000e+00> : vector<2048x640xf32>
    %dot_general3A_5 = tpu.matmul %get3A_1, %get3A_4, %dot_general3A {dimension_numbers = #tpu.dot_dimension_numbers<[1], [0], [0], [1], [0, 0, 1, 1], [], []>, transpose_lhs_hint = false} : vector<2048x768xbf16>, vector<768x640xbf16>, vector<2048x640xf32> -> vector<2048x640xf32>
    %swap3A = arith.constant 0 : index
    %swap3A_6 = arith.constant 0 : index
    %swap3A_7 = vector.load %arg3[%swap3A, %swap3A_6] : memref<2048x640xf32, #tpu.memory_space<vmem>>, vector<2048x640xf32>
    tpu.vector_store %arg3[%swap3A, %swap3A_6], %dot_general3A_5 {strides = array<i32>} : memref<2048x640xf32, #tpu.memory_space<vmem>>, vector<2048x640xf32>,
    return
  }
  func.func @transform_0(%arg0: i32) -> (i32, i32) {
    %c0_i32 = arith.constant 0 : i32
    %c0_i32_0 = arith.constant 0 : i32
    %c0_i32_1 = arith.constant 0 : i32
    return %c0_i32, %c0_i32_0 : i32, i32
  }
  func.func @transform_1(%arg0: i32) -> (i32, i32) {
    %c0_i32 = arith.constant 0 : i32
    %c0_i32_0 = arith.constant 0 : i32
    return %c0_i32, %arg0 : i32, i32
  }
  func.func @transform_2(%arg0: i32) -> (i32, i32) {
    %c0_i32 = arith.constant 0 : i32
    %c0_i32_0 = arith.constant 0 : i32
    return %c0_i32, %arg0 : i32, i32
  }
}

</mosaic_0001>

<sc_bundles>
// kernel: gather_offload_async_start
scs
__scs_entry_jumppad:
0x0: {  	(pc) =	sbr.rel $0x88, $3  }
0x1: {  	(tag) =	ssettag $0x0;
	lr =	simm.s32 $0x1  }
0x2: {  	[smem:$0x3F42] =	sst lr;
	_ =	strace $0xD0000000  }
0x3: {  	_ = 	snop  }
0x4: {  	_ = 	snop  }
0x5: {  	_ = 	snop  }
0x6: {  	_ = 	snop  }
0x7: {  	_ = 	snop  }
__scs_overlays_trampoline_lowered:
0x8: {  	[smem:$0x3F51] =	sst s0  }
0x9: {  	[smem:$0x3F52] =	sst s1  }
0xa: {  	[smem:$0x3F53] =	sst s2  }
0xb: {  	[smem:$0x3F54] =	sst s3  }
0xc: {  	[smem:$0x3F55] =	sst s4  }
0xd: {  	[smem:$0x3F56] =	sst s5  }
0xe: {  	[smem:$0x3F57] =	sst s6  }
0xf: {  	[smem:$0x3F58] =	sst s7  }
0x10: {  	[smem:$0x3F59] =	sst s8  }
0x11: {  	[smem:$0x3F5A] =	sst s9;
	s0 =	simm.s32 @!p0 $0x0  }
0x12: {  	s1 =	sld [smem:$0x3F40];
	s0 =	simm.s32 @p0 $0x1  }
0x13: {  	[smem:$0x3F5B] =	sst s0;
	s0 =	simm.s32 @!p1 $0x0  }
0x14: {  	s2 =	sld [smem:$0x3F3F];
	s0 =	simm.s32 @p1 $0x1  }
0x15: {  	[smem:$0x3F5C] =	sst s0;
	s0 =	simm.s32 @!p2 $0x0  }
0x16: {  	s3 =	sld [smem:$0x3FDB];
	s0 =	simm.s32 @p2 $0x1  }
0x17: {  	s4 =	simm.s32 $0x1BF5;
	[smem:$0x3F5E] =	sst s0  }
0x18: {  	s0 =	sld [smem:$0x3F41];
	_ =	swait.ge [sflag:s4], $0x0  }
0x19: {  	s7 =	sld [smem:$0x3F42]  }
0x1a: {  	s8 =	sadd.s32 $0xFFFFE003, lr  }
0x1b: {  	s9 =	sadd.s32 $0xFFFFFEF7, lr;
	s5 =	simm.s32 $0xFFFFFFFF;
	p2 =	slt.u32 s8, $0xFFFFF086  }
0x1c: {  	p1 =	slt.u32 s9, $0xF7A;
	s5 =	simm.s32 @!p2 $0x0  }
0x1d: {  	s5 =	simm.s32 @p1 $0x1;
	p0 =	seq.s32 s7, s2  }
0x1e: {  	s7 =	smul.u32 @!p0 $0xF7A, s2;
	p2 =	seq.s32 @!p0 s5, $0x0  }
0x1f: {  	s9 =	smul.u32 $0xF7A, s1;
	s8 =	simm.s32 @!p0 $0x1BF5;
	p2 =	por !p2, p0  }
0x20: {  	[sflag:s8] =	ssyncset.s32 @!p0 $0xFFFFF086;
	s6 =	sadd.s32 @!p0 s3, s7;
	s7 =	simm.s32 @!p0 $0x108  }
0x21: {  	s3 =	sadd.s32 s3, s9;
	s6 =	sadd.s32 @!p0 $0x88, s6;
	s7 =	simm.s32 @p2 $0x1082  }
0x22: {  	[simem:s7], [sflag:s8] =	dma.local @!p0 [hbm:s6], $0xF7A  }
0x23: {  	s9 =	sor.u32 $0xD0000000, s2;
	s6 =	simm.s32 $0x108;
	_ =	swait.ge @!p0 [sflag:s8], $0x0  }
0x24: {  	s3 =	sadd.s32 $0x88, s3;
	s6 =	simm.s32 @!p1 $0x1082;
	[sflag:s4] =	ssyncset.s32 $0xFFFFF086  }
0x25: {  	[simem:s6], [sflag:s4] =	dma.local [hbm:s3], $0xF7A  }
0x26: {  	[smem:$0x3F42] =	sst s1;
	(tag) =	ssettag s2;
	_ =	strace s9  }
0x27: {  	s1 =	sld [smem:$0x3F52]  }
0x28: {  	s2 =	sld [smem:$0x3F53]  }
0x29: {  	s4 =	sld [smem:$0x3F55]  }
0x2a: {  	p0 =	seq.s32 s5, $0x0;
	s5 =	sld [smem:$0x3F56]  }
0x2b: {  	s6 =	sld [smem:$0x3F57]  }
0x2c: {  	s7 =	sld [smem:$0x3F58]  }
0x2d: {  	s3 =	simm.s32 $0x108;
	s8 =	sld [smem:$0x3F59]  }
0x2e: {  	s3 =	simm.s32 @!p0 $0x1082;
	s9 =	sld [smem:$0x3F5A]  }
0x2f: {  	lr =	sadd.s32 s0, s3;
	s0 =	sld [smem:$0x3F51]  }
0x30: {  	s3 =	sld [smem:$0x3F54]  }
0x31: {  	[smem:$0x3F5D] =	sst s10  }
0x32: {  	s10 =	sld [smem:$0x3F5B];
	_ =	sdelay $0x3  }
0x33: {  	p0 =	seq.s32 s10, $0x1;
	s10 =	sld [smem:$0x3F5D];
	_ =	sdelay $0x3  }
0x34: {  	[smem:$0x3F5D] =	sst s10  }
0x35: {  	s10 =	sld [smem:$0x3F5C];
	_ =	sdelay $0x3  }
0x36: {  	p1 =	seq.s32 s10, $0x1;
	s10 =	sld [smem:$0x3F5D];
	_ =	sdelay $0x3  }
0x37: {  	[smem:$0x3F5D] =	sst s10  }
0x38: {  	s10 =	sld [smem:$0x3F5E]  }
0x39: {  	_ = 	snop;
	(pc) =	sbr.ind lr, $3  }
0x3a: {  	_ = 	snop  }
0x3b: {  	_ = 	snop  }
0x3c: {  	p2 =	seq.s32 s10, $0x1;
	s10 =	sld [smem:$0x3F5D]  }
0x3d: {  	_ =	shalt  }
0x3e: {  	_ =	shalt  }
0x3f: {  	_ =	shalt  }
0x40: {  	_ =	shalt  }
0x41: {  	_ =	shalt  }
0x42: {  	_ =	shalt  }
0x43: {  	_ =	shalt  }
0x44: {  	_ =	shalt  }
0x45: {  	_ =	shalt  }
0x46: {  	_ =	shalt  }
0x47: {  	_ =	shalt  }
0x48: {  	_ =	shalt  }
0x49: {  	_ =	shalt  }
0x4a: {  	_ =	shalt  }
0x4b: {  	_ =	shalt  }
0x4c: {  	_ =	shalt  }
0x4d: {  	_ =	shalt  }
0x4e: {  	_ =	shalt  }
0x4f: {  	_ =	shalt  }
0x50: {  	_ =	shalt  }
0x51: {  	_ =	shalt  }
0x52: {  	_ =	shalt  }
0x53: {  	_ =	shalt  }
0x54: {  	_ =	shalt  }
0x55: {  	_ =	shalt  }
0x56: {  	_ =	shalt  }
0x57: {  	_ =	shalt  }
0x58: {  	_ =	shalt  }
0x59: {  	_ =	shalt  }
0x5a: {  	_ =	shalt  }
0x5b: {  	_ =	shalt  }
0x5c: {  	_ =	shalt  }
0x5d: {  	_ =	shalt  }
0x5e: {  	_ =	shalt  }
0x5f: {  	_ =	shalt  }
0x60: {  	_ =	shalt  }
0x61: {  	_ =	shalt  }
0x62: {  	_ =	shalt  }
0x63: {  	_ =	shalt  }
0x64: {  	_ =	shalt  }
0x65: {  	_ =	shalt  }
0x66: {  	_ =	shalt  }
0x67: {  	_ =	shalt  }
0x68: {  	_ =	shalt  }
0x69: {  	_ =	shalt  }
0x6a: {  	_ =	shalt  }
0x6b: {  	_ =	shalt  }
0x6c: {  	_ =	shalt  }
0x6d: {  	_ =	shalt  }
0x6e: {  	_ =	shalt  }
0x6f: {  	_ =	shalt  }
0x70: {  	_ =	shalt  }
0x71: {  	_ =	shalt  }
0x72: {  	_ =	shalt  }
0x73: {  	_ =	shalt  }
0x74: {  	_ =	shalt  }
0x75: {  	_ =	shalt  }
0x76: {  	_ =	shalt  }
0x77: {  	_ =	shalt  }
0x78: {  	_ =	shalt  }
0x79: {  	_ =	shalt  }
0x7a: {  	_ =	shalt  }
0x7b: {  	_ =	shalt  }
0x7c: {  	_ =	shalt  }
0x7d: {  	_ =	shalt  }
0x7e: {  	_ =	shalt  }
0x7f: {  	_ =	shalt  }
0x80: {  	_ =	shalt  }
0x81: {  	_ =	shalt  }
0x82: {  	_ =	shalt  }
0x83: {  	_ =	shalt  }
0x84: {  	_ =	shalt  }
0x85: {  	_ =	shalt  }
0x86: {  	_ =	shalt  }
0x87: {  	_ =	shalt  }
.Lfunc_end0:
.L_simem_size_0:
called_computation_lowered:
.L_overlay_start_0:
0x88: {  	s2 =	sld [smem:$0x3FD9]  }
0x89: {  	s3 =	sld [smem:$0x3FFE];
	_ =	sdelay $0x1  }
0x8a: {  	s1 =	srdreg.scid  }
0x8b: {  	s0 =	sand.u32 $0x1, s1  }
0x8c: {  	s17 =	sshll.u32 s0, $0xA;
	s2 =	sadd.s32 s3, s2  }
0x8d: {  	s2 =	sadd.s32 s2, s17  }
0x8e: {  	[smem:$0x3F69] =	sst s2  }
0x8f: {  	_ = 	snop  }
0x90: {  	s2 =	sld [smem:$0x3F6E]  }
0x91: {  	s18 =	sld [smem:$0x3FD0];
	(tm) =	ssettm $0x1  }
0x92: {  	s4 =	sld [smem:$0x3FFB];
	_ =	sdelay $0x3  }
0x93: {  	_ =	strace s4  }
0x94: {  	s4 =	sld [smem:$0x3FFC];
	_ =	sdelay $0x3  }
0x95: {  	_ =	strace s4  }
0x96: {  	s4 =	sld [smem:$0x3FFD];
	_ =	sdelay $0x3  }
0x97: {  	_ =	strace s4  }
0x98: {  	_ =	strace $0x8FFFFFFF  }
0x99: {  	s19 =	sld [smem:$0x3FDB];
	_ =	sdelay $0x1  }
0x9a: {  	s5 =	simm.s32 $_scs_section_size  }
0x9b: {  	s6 =	simm.s32 $_size__tile_overlayer_lowered;
	s7 =	simm.s32 $_tile_overlayer_lowered  }
0x9c: {  	s22 =	simm.s32 $0x1BFF;
	s21 =	sshll.u32 s7, $0x1;
	s4 =	sadd.s32 s5, s19  }
0x9d: {  	s8 =	simm.s32 $0x0;
	s20 =	sshll.u32 s6, $0x1;
	s6 =	sadd.s32 s21, s4  }
0x9e: {  	[timem:s8], [sflag:s22] =	dma.local [hbm:s6], s20  }
0x9f: {  	_ =	swait.ge [sflag:s22], s20  }
0xa0: {  	s5 =	ssub.s32 $0x0, s20;
	[sflag:s22] =	ssyncset.done $0x0  }
0xa1: {  	[sflag:s22] =	ssyncadd.s32 s5;
	_ =	sdelay $0x1  }
0xa2: {  	s23 =	simm.s32 $0x1B8B  }
0xa3: {  	_ =	swait.ge [sflag:s23], $0x1  }
0xa4: {  	[sflag:s23] =	ssyncset.done $0x0  }
0xa5: {  	s25 =	simm.s32 $0x1B8E;
	s24 =	sld [smem:$0x3FFE];
	[sflag:s23] =	ssyncadd.s32 $0xFFFFFFFF  }
0xa6: {  	s26 =	simm.s32 $execute0_lowered;
	[smem:$0x3FD2] =	sst s25  }
0xa7: {  	s6 =	sshll.u32 s26, $0x1;
	_ =	strace $0x80000046;
	[dreg:$0x1] =	wrdreg $0xFFFFFFFF  }
0xa8: {  	s28 =	simm.s32 $_size_execute0_lowered;
	s4 =	sadd.s32 s4, s6;
	[dreg:$0x0] =	wrdreg $0x0  }
0xa9: {  	s6 =	sshll.u32 s28, $0x1;
	[dreg:$0x2] =	wrdreg s4  }
0xaa: {  	[dreg:$0x3] =	wrdreg s6  }
0xab: {  	[dreg:$0x4] =	wrdreg $0xC0  }
0xac: {  	_ =	task [dreg:s8], $0x5FFFF  }
0xad: {  	[dreg:$0x1] =	wrdreg $0xFFFFFFFF  }
0xae: {  	[dreg:$0x0] =	wrdreg $0x60  }
0xaf: {  	[dreg:$0x2] =	wrdreg s2  }
0xb0: {  	[dreg:$0x3] =	wrdreg s24  }
0xb1: {  	[dreg:$0x4] =	wrdreg s18  }
0xb2: {  	[dreg:$0x5] =	wrdreg $0x9  }
0xb3: {  	_ =	task.clear_ibuf [dreg:s8], $0x6FFFF;
	_ =	strace $0x90000046  }
0xb4: {  	s29 =	simm.s32 $0x9;
	_ =	strace $0x80000048  }
0xb5: {  	_ =	swait.ge [sflag:s29], $0x1  }
0xb6: {  	[sflag:s29] =	ssyncadd.s32 $0xFFFFFFFF  }
0xb7: {  	_ =	strace $0x90000048  }
0xb8: {  	_ =	sfence  }
0xb9: {  	s30 =	sld [smem:$0x0];
	_ =	sdelay $0x2  }
0xba: {  	s31 =	sshll.u32 s1, $0xD;
	s1 =	sshrl.u32 s1, $0x2  }
0xbb: {  	s3 =	sand.u32 $0x4000, s31;
	s1 =	sadd.s32 s1, s30  }
0xbc: {  	s0 =	sor.u32 s3, s0;
	s1 =	sshll.u32 s1, $0x11  }
0xbd: {  	s0 =	sor.u32 s1, s0  }
0xbe: {  	s0 =	sadd.s32 $0x8F2B, s0  }
0xbf: {  	[sflag:s0] =	ssyncadd.remote.s32 $0x1  }
0xc0: {  	_ =	sfence.sel $0xFFFF  }
0xc1: {  	[dreg:$0x0] =	wrdreg $0xFFFFFFFF;
	(pc) =	sbr.abs _section_cstart, $3  }
0xc2: {  	[dreg:$0x1] =	wrdreg $0xFFFFFFFF  }
0xc3: {  	_ =	task.clear_ibuf [dreg:s8], $0x2FFFF;
	_ =	strace $0x9FFFFFFF  }
0xc4: {  	(tm) =	ssettm $0x7FFFFFFF  }
0xc5: {  	_ =	shalt  }
tec
execute0_lowered:
.L_overlay_start_1:
0x0: {  	(tag) =	ssettag $0x1  }
0x1: {  	s2 =	rddreg [dreg:$0x0]  }
0x2: {  	s7 =	rddreg [dreg:$0x1]  }
0x3: {  	s3 =	rddreg [dreg:$0x2]  }
0x4: {  	s0 =	rddreg [dreg:$0x3];
	s1 =	srdreg.scid;
	_ =	strace $0x80000047  }
0x5: {  	s4 =	simm.s32 $0x1;
	s9 =	simm.s32 $0x3;
	s5 =	sshll.u32 s1, $0x4  }
.Ltmp0:
0x6: {  	s1 =	stileid.u32;
	s5 =	sand.u32 $0x10, s5;
	(pc) =	sbr.rel .LBB2_1-.Ltmp0, $4  }
0x7: {  	s12 =	simm.s32 $0x0;
	s10 =	simm.s32 $0x0;
	s6 =	sor.u32 s1, s5  }
0x8: {  	[sflag:s4] =	ssyncpa.u1 $0x0;
	s5 =	simm.s32 $0x2;
	s6 =	sshll.u32 s6, $0x6  }
0x9: {  	s7 =	sadd.s32 $0x12000, s7;
	[sflag:s5] =	ssyncpa.u1 $0x0;
	s8 =	sadd.s32 $0x40, s6  }
0xa: {  	vm0 =	vmmov $0xff;
	vm1 =	vcmask $0x3F20;
	[sflag:s9] =	ssyncpa.u1 $0x0;
	s9 =	simm.s32 $0x40;
	s11 =	smov.u32 s6  }
.LBB2_11:
0xb: {  	p0 =	seq.s32 s10, $0x2  }
.Ltmp1:
0xc: {  	_ = 	snop;
	(pc) =	sbr.rel @p0 .LBB2_13-.Ltmp1, $1  }
0xd: {  	_ =	sdelay $0x3  }
.LBB2_12:
0xe: {  	s12 =	sadd.s32 $0x40, s11  }
0xf: {  	s13 =	smov.u32 s6;
	p0 =	slt.s32 s12, s8  }
0x10: {  	s13 =	smov.u32 @p0 s12  }
0x11: {  	s10 =	sadd.s32 $0x1, s10;
	s12 =	smov.u32 s11;
	s11 =	smov.u32 s13  }
.LBB2_1:
0x12: {  	p0 =	sne.s32 s10, $0x0  }
.Ltmp2:
0x13: {  	_ = 	snop;
	(pc) =	sbr.rel @!p0 .LBB2_2-.Ltmp2, $1  }
0x14: {  	_ =	sdelay $0x3  }
0x15: {  	s13 =	sand.u32 $0x1, s10  }
0x16: {  	p0 =	seq.s32 s13, $0x0  }
.Ltmp3:
0x17: {  	_ = 	snop;
	(pc) =	sbr.rel @p0 .LBB2_11-.Ltmp3, $1  }
0x18: {  	_ =	sdelay $0x3  }
0x19: {  	_ =	swait.ge [sflag:s5], $0x40  }
0x1a: {  	[sflag:s5] =	ssyncset.done $0x0  }
0x1b: {  	s13 =	simm.s32 $0x0;
	s14 =	simm.s32 $0x80;
	[sflag:s5] =	ssyncadd.s32 $0xFFFFFFC0  }
.LBB2_5:
0x1c: {  	s15 =	sshll.u32 s13, $0x4  }
0x1d: {  	s15 =	sand.u32 $0x3FFFFFF0, s15  }
0x1e: {  	v0 =	vld.msk [tilespmem:s15+$0x40 ss:$0x1], $0xffff;
	_ =	sdelay $0x4  }
0x1f: {  	vm2 =	vgt.s32 v0, $0x0  }
0x20: {  	v0 =	vnsel vm2, $0x0, v0  }
0x21: {  	v0 =	vmin.u32 v0, $0x3E7F  }
0x22: {  	v1 =	vshrl.u32 v0, $0x3  }
0x23: {  	v0 =	vshll.u32 v0, $0x7;
	v1 =	vmul.u32 $0x1800, v1  }
0x24: {  	v0 =	vand.u32 $0x380, v0  }
0x25: {  	v0 =	vor.u32 v0, v1  }
0x26: {  	v0 =	vshrl.u32 v0, $0x3;
	_ =	sdelay $0x2  }
0x27: {  	s16 =	sadd.s32 $0xFFFFE800, s14  }
0x28: {  	s31 =	sadd.s32 $0xD800, s16;
	s16 =	sadd.s32 $0xF000, s16;
	s15 =	simm.s32 $0xFFFFB000  }
0x29: {  	v1 =	vadd.s32 $0x80, v0;
	[tilespmem:s31], [sflag:$0x1] =	stream.indirect_vreg.gather [hbm:s2], $0x80, v0, vm0, $0x38;
	[tilespmem:$0x18080] =	vst v63  }
.LBB2_6:
0x2a: {  	[tilespmem:s16], [sflag:$0x1] =	stream.indirect_vreg.gather [hbm:s2], $0x80, v0, vm1, $0x38;
	[tilespmem:$0x18080] =	vst v63  }
0x2b: {  	v0 =	vmov v1;
	p0 =	sne.s32 s15, $0xFFFFF000  }
.Ltmp4:
0x2c: {  	s16 =	sshra.s32 s15, $0x2;
	(pc) =	sbr.rel @p0 .LBB2_6-.Ltmp4, $4  }
0x2d: {  	s15 =	sadd.s32 $0x1000, s15;
	s16 =	sadd.s32 s16, s14  }
0x2e: {  	s17 =	sadd.s32 $0xD800, s16  }
0x2f: {  	[tilespmem:s17], [sflag:$0x1] =	stream.indirect_vreg.gather [hbm:s2], $0x80, v1, vm0, $0x38;
	[tilespmem:$0x18080] =	vst v63  }
0x30: {  	s16 =	sadd.s32 $0xF000, s16;
	v1 =	vadd.s32 $0x80, v1  }
0x31: {  	s13 =	sadd.s32 $0x1, s13  }
0x32: {  	p0 =	sne.s32 s13, $0x4  }
.Ltmp5:
0x33: {  	_ = 	snop;
	(pc) =	sbr.rel @p0 .LBB2_5-.Ltmp5, $3  }
0x34: {  	_ =	sdelay $0x1  }
0x35: {  	[tilespmem:s16], [sflag:$0x1] =	stream.indirect_vreg.gather [hbm:s2], $0x80, v0, vm1, $0x38;
	[tilespmem:$0x18080] =	vst v63  }
0x36: {  	s14 =	sadd.s32 $0x3000, s14  }
0x37: {  	s13 =	sshrl.u32 s12, $0x3  }
0x38: {  	s13 =	smul.u32 $0x300, s13  }
0x39: {  	_ =	swait.ge [sflag:s4], $0xC000;
	s31 =	sshll.u32 s12, $0x4  }
0x3a: {  	s14 =	simm.s32 $0x300;
	s12 =	sand.u32 $0x70, s31;
	s13 =	sadd.s32 s13, s3  }
0x3b: {  	s15 =	simm.s32 $0xD880;
	[sflag:s4] =	ssyncset.done $0x0;
	s12 =	sadd.s32 s12, s13  }
0x3c: {  	[sflag:s4] =	ssyncadd.s32 $0xFFFF4000;
	s13 =	simm.s32 $0xC080;
	s16 =	sadd.s32 $0x0, s12  }
.LBB2_9:
0x3d: {  	[hbm:s16] =	stream.linear.scatter [tilespmem:s13], [sflag:$0x3], $0x1800, $0x38;
	[tilespmem:$0x18080] =	vst v63  }
0x3e: {  	s16 =	smov.u32 s14;
	s13 =	smov.u32 s15;
	p0 =	sne.s32 s14, $0x1500  }
.Ltmp6:
0x3f: {  	s14 =	sadd.s32 $0x300, s14;
	(pc) =	sbr.rel @p0 .LBB2_9-.Ltmp6, $2  }
0x40: {  	_ =	sdelay $0x2  }
0x41: {  	s15 =	sadd.s32 $0x1800, s15;
	s16 =	sadd.s32 s16, s12  }
.Ltmp7:
0x42: {  	(pc) =	sbr.rel .LBB2_11-.Ltmp7, $2  }
0x43: {  	_ =	sdelay $0x2  }
0x44: {  	[hbm:s16] =	stream.linear.scatter [tilespmem:s13], [sflag:$0x3], $0x1800, $0x38;
	[tilespmem:$0x18080] =	vst v63  }
.LBB2_2:
.Ltmp8:
0x45: {  	(pc) =	sbr.rel .LBB2_12-.Ltmp8, $4  }
0x46: {  	_ = 	snop  }
0x47: {  	s12 =	sshrl.u32 s11, $0x3  }
0x48: {  	s13 =	sand.u32 $0x7, s11;
	s12 =	sadd.s32 s7, s12  }
0x49: {  	[tilespmem:s9], [sflag:$0x2] =	stream.linear.gather [hbm4b:s12+s13], $0x40, $0x38;
	[tilespmem:$0x18080] =	vst v63  }
.LBB2_13:
0x4a: {  	s2 =	simm.s32 $0x3  }
0x4b: {  	_ =	swait.ge [sflag:s2], $0xC000  }
0x4c: {  	[sflag:s2] =	ssyncset.done $0x0  }
0x4d: {  	[sflag:s2] =	ssyncadd.s32 $0xFFFF4000  }
0x4e: {  	_ =	sfence.sel $0x180000  }
0x4f: {  	s3 =	simm.s32 $0x2;
	[bflag:$0x0] =	sbarrier.arrive $0xFFFF  }
0x50: {  	[sflag:s3] =	ssyncpa.u1 $0x1  }
0x51: {  	s31 =	simm.s32 $0x1;
	[sflag:s2] =	ssyncpa.u1 $0x1  }
0x52: {  	[sflag:s31] =	ssyncpa.u1 $0x1  }
0x53: {  	p0 =	sne.s32 s1, $0x0;
	_ =	strace $0x90000047  }
0x54: {  	s0 =	sadd.s32 @!p0 $0x100000, s0;
	[bflag:$0x2] =	sbarrier.arrive $0xFFFF  }
0x55: {  	[sflag:s0] =	ssyncadd.tile.s32 @!p0 $0x1;
	_ =	shalt  }
.Lfunc_end2:
_tile_overlayer_lowered:
.L_overlay_start_2:
0x56: {  	(tag) =	ssettag $0x2  }
0x57: {  	s0 =	rddreg [dreg:$0x0];
	s2 =	stileid.u32  }
0x58: {  	s1 =	rddreg [dreg:$0x1];
	p0 =	sne.s32 s2, $0x0  }
0x59: {  	s3 =	rddreg [dreg:$0x2];
	[bflag:$0x3] =	sbarrier.arrive $0xFFFF;
	s2 =	simm.s32 @!p0 $0x1C01  }
0x5a: {  	[timem:s3], [sflag:s2] =	dma.local @!p0 [hbm:s0], s1  }
0x5b: {  	s0 =	simm.s32 @!p0 $0x1  }
0x5c: {  	_ =	swait.ge @!p0 [sflag:s0], s1  }
0x5d: {  	s1 =	ssub.s32 @!p0 $0x0, s1;
	[sflag:s0] =	ssyncset.done @!p0 $0x0  }
0x5e: {  	[sflag:s0] =	ssyncadd.s32 @!p0 s1  }
0x5f: {  	[bflag:$0x3] =	sbarrier.arrive $0xFFFF  }
0x60: {  	_ =	shalt  }

</sc_bundles>
